<compile_context>
chip_gen: v7x
topology: tpu7x:2x2x1
jax: 0.10.2.dev20260603
libtpu: 0.0.44.dev20260713+nightly
codegen_flags: <defaults>
</compile_context>

<pallas_src>
import functools

import jax
import jax.numpy as jnp
from jax import lax
from jax.experimental import pallas as pl
from jax.experimental.pallas import tpu as pltpu
from jax.experimental.pallas import tpu_sc as plsc

_BATCH = 16384
_FEAT = 128
_NC = 2
_NS = 16
_NW = _NC * _NS
_ROWS_PER_W = _BATCH // _NW
_CHUNKS = (128, 128, 128, 128)
_LANES = 16
_VPF = _FEAT // _LANES
_BUF = 128


def _make_sc_loss():
    mesh = plsc.VectorSubcoreMesh(core_axis_name="c", subcore_axis_name="s")

    @functools.partial(
        pl.kernel,
        mesh=mesh,
        compiler_params=pltpu.CompilerParams(needs_layout_passes=False),
        out_type=jax.ShapeDtypeStruct((_NW, _LANES), jnp.float32),
        scratch_types=[
            pltpu.VMEM((_ROWS_PER_W,), jnp.int32),
            pltpu.VMEM((2, _BUF, _FEAT), jnp.float32),
            pltpu.VMEM((2, _BUF, _FEAT), jnp.float32),
            pltpu.VMEM((_LANES,), jnp.float32),
            pltpu.SemaphoreType.DMA,
            pltpu.SemaphoreType.DMA,
            pltpu.SemaphoreType.DMA,
            pltpu.SemaphoreType.DMA,
        ],
    )
    def sc_loss(x_hbm, lab_hbm, cen_hbm, out_hbm,
                idx_v, xb, cb, res_v, sx0, sx1, sc0, sc1):
        wid = lax.axis_index("s") * _NC + lax.axis_index("c")
        sems_x = (sx0, sx1)
        sems_c = (sc0, sc1)
        starts = [sum(_CHUNKS[:i]) for i in range(len(_CHUNKS))]
        hx = {}
        hc = {}

        def start_x(i):
            b = i % 2
            hx[i] = pltpu.async_copy(
                x_hbm.at[wid, pl.ds(starts[i], _CHUNKS[i])],
                xb.at[b, pl.ds(0, _CHUNKS[i])], sems_x[b])

        def start_c(i):
            b = i % 2
            hc[i] = pltpu.async_copy(
                cen_hbm.at[idx_v.at[pl.ds(starts[i], _CHUNKS[i])]],
                cb.at[b, pl.ds(0, _CHUNKS[i])], sems_c[b])

        start_x(0)
        pltpu.sync_copy(lab_hbm.at[wid], idx_v)
        start_c(0)
        total_vec = jnp.zeros((_LANES,), jnp.float32)
        for i in range(len(_CHUNKS)):
            if i + 1 < len(_CHUNKS):
                start_x(i + 1)
                start_c(i + 1)
            hx[i].wait()
            hc[i].wait()
            b = i % 2

            def row_body(r, tv, b=b):
                acc = None
                for f in range(_VPF):
                    xv = xb[b, r, pl.ds(_LANES * f, _LANES)]
                    cv = cb[b, r, pl.ds(_LANES * f, _LANES)]
                    d = xv - cv
                    acc = d * d if acc is None else acc + d * d
                cs = plsc.cumsum(acc)
                cs = jnp.minimum(jnp.maximum(cs, jnp.float32(1e-12)),
                                 jnp.float32(1e12))
                return tv + cs

            total_vec = plsc.parallel_loop(
                0, _CHUNKS[i], step=1, unroll=4, carry=total_vec)(row_body)
        res_v[...] = total_vec
        pltpu.sync_copy(res_v, out_hbm.at[wid])

    return sc_loss


_sc_loss = _make_sc_loss()


def kernel(x, labels, centers):
    x3 = x.reshape(_NW, _ROWS_PER_W, _FEAT)
    lab2 = labels.astype(jnp.int32).reshape(_NW, _ROWS_PER_W)
    partials = _sc_loss(x3, lab2, centers)
    return jnp.sum(partials[:, _LANES - 1]) / jnp.float32(_BATCH)

# --- scband reference (transcript-rebuilt; emitter-appended) ---
"""Pipeline reference for scband-center-loss-26010321945186 (READ-ONLY COPY).

The authoritative reference and input builder live on the scoring server;
editing this copy changes nothing except your own understanding.
"""

import jax, jax.numpy as jnp
import numpy as np

NUM_CLASSES = 100000
FEAT_DIM = 128
BATCH = 16384

def setup_inputs(seed: int = 0) -> dict:
    key = jax.random.key(seed)
    k1, k2, k3 = jax.random.split(key, 3)
    x = jax.random.normal(k1, (BATCH, FEAT_DIM), dtype=jnp.float32)
    labels = jax.random.randint(k2, (BATCH,), 0, NUM_CLASSES, dtype=jnp.int64)
    centers = jax.random.normal(k3, (NUM_CLASSES, FEAT_DIM), dtype=jnp.float32)
    return {"x": x, "labels": labels, "centers": centers}

def reference(x, labels, centers):
    # center = self.centers[labels]  (gather rows of the centers table)
    center = jnp.take(centers, labels, axis=0)
    # dist = (x - center).pow(2).sum(dim=-1)
    dist = jnp.sum((x - center) ** 2, axis=-1)
    # loss = clamp(dist, 1e-12, 1e12).mean(dim=-1)
    loss = jnp.clip(dist, 1e-12, 1000000000000.0).mean(axis=-1)
    return loss

if __name__ == "__main__":
    import jax
    _d = setup_inputs()
    print(jax.jit(kernel)(*tuple(_d.values())))

</pallas_src>

<mosaic_0001>
#map = affine_map<(d0, d1) -> (0, 0, 0)>
#map1 = affine_map<(d0, d1) -> (0, 0)>
module attributes {stable_mosaic.version = 14 : i64} {
  func.func @sc_loss(%arg0: i32, %arg1: i32, %arg2: memref<32x512x128xf32, #tpu.memory_space<hbm>>, %arg3: memref<32x512xi32, #tpu.memory_space<hbm>>, %arg4: memref<100000x128xf32, #tpu.memory_space<hbm>>, %arg5: memref<32x16xf32, #tpu.memory_space<hbm>>, %arg6: memref<512xi32, #tpu.memory_space<vmem>>, %arg7: memref<2x128x128xf32, #tpu.memory_space<vmem>>, %arg8: memref<2x128x128xf32, #tpu.memory_space<vmem>>, %arg9: memref<16xf32, #tpu.memory_space<vmem>>, %arg10: memref<!tpu.dma_semaphore, #tpu.memory_space<semaphore_mem>>, %arg11: memref<!tpu.dma_semaphore, #tpu.memory_space<semaphore_mem>>, %arg12: memref<!tpu.dma_semaphore, #tpu.memory_space<semaphore_mem>>, %arg13: memref<!tpu.dma_semaphore, #tpu.memory_space<semaphore_mem>>) attributes {dimension_semantics = [#tpu.dimension_semantics<core_parallel>, #tpu.dimension_semantics<subcore_parallel>], iteration_bounds = array<i64: 2, 16>, scalar_prefetch = 0 : i64, scratch_operands = 8 : i64, tpu.core_type = #tpu.core_type<sc_vector_subcore>, window_params = [{transform_indices = #map}, {transform_indices = #map1}, {transform_indices = #map1}, {transform_indices = #map1}]} {
    %mul3A = arith.constant 2 : i32
    %mul3A_0 = arith.muli %arg1, %mul3A : i32
    %add3A = arith.addi %mul3A_0, %arg0 : i32
    %dma_start3A = arith.constant 0 : i32
    %dma_start3A_1 = arith.constant 0 : i32
    %dma_start3A_2 = arith.constant 0 : i32
    %dma_start3A_3 = tpu.memref_slice %arg7[%dma_start3A, %dma_start3A_1, %dma_start3A_2] : memref<2x128x128xf32, #tpu.memory_space<vmem>> -> memref<1x128x128xf32, #tpu.memory_space<vmem>>
    %dma_start3A_4 = tpu.memref_squeeze %dma_start3A_3 : memref<1x128x128xf32, #tpu.memory_space<vmem>> -> memref<128x128xf32, #tpu.memory_space<vmem>>
    %dma_start3A_5 = arith.constant 0 : i32
    %dma_start3A_6 = arith.constant 0 : i32
    %dma_start3A_7 = tpu.memref_slice %arg2[%add3A, %dma_start3A_5, %dma_start3A_6] : memref<32x512x128xf32, #tpu.memory_space<hbm>> -> memref<1x128x128xf32, #tpu.memory_space<hbm>>
    %dma_start3A_8 = tpu.memref_squeeze %dma_start3A_7 : memref<1x128x128xf32, #tpu.memory_space<hbm>> -> memref<128x128xf32, #tpu.memory_space<hbm>>
    %dma_start3A_9 = arith.constant 0 : i32
    %dma_start3A_10 = arith.constant 0 : i32
    %dma_start3A_11 = tpu.memref_slice %arg7[%dma_start3A, %dma_start3A_9, %dma_start3A_10] : memref<2x128x128xf32, #tpu.memory_space<vmem>> -> memref<1x128x128xf32, #tpu.memory_space<vmem>>
    %dma_start3A_12 = tpu.memref_squeeze %dma_start3A_11 : memref<1x128x128xf32, #tpu.memory_space<vmem>> -> memref<128x128xf32, #tpu.memory_space<vmem>>
    %dma_start3A_13 = arith.constant 0 : i32
    %dma_start3A_14 = arith.constant 0 : i32
    %dma_start3A_15 = tpu.memref_slice %arg2[%add3A, %dma_start3A_13, %dma_start3A_14] : memref<32x512x128xf32, #tpu.memory_space<hbm>> -> memref<1x128x128xf32, #tpu.memory_space<hbm>>
    %dma_start3A_16 = tpu.memref_squeeze %dma_start3A_15 : memref<1x128x128xf32, #tpu.memory_space<hbm>> -> memref<128x128xf32, #tpu.memory_space<hbm>>
    tpu.enqueue_dma source(%dma_start3A_16 : memref<128x128xf32, #tpu.memory_space<hbm>>) target(%dma_start3A_12 : memref<128x128xf32, #tpu.memory_space<vmem>>) target_semaphore(%arg10 : memref<!tpu.dma_semaphore, #tpu.memory_space<semaphore_mem>>)
    "tpu.region"() ({
      %run_scoped3A = tpu.sem_alloc : memref<!tpu.dma_semaphore, #tpu.memory_space<semaphore_mem>>
      %dma_start3A_232 = arith.constant 0 : i32
      %dma_start3A_233 = tpu.memref_slice %arg3[%add3A, %dma_start3A_232] : memref<32x512xi32, #tpu.memory_space<hbm>> -> memref<1x512xi32, #tpu.memory_space<hbm>>
      %dma_start3A_234 = tpu.memref_squeeze %dma_start3A_233 : memref<1x512xi32, #tpu.memory_space<hbm>> -> memref<512xi32, #tpu.memory_space<hbm>>
      %dma_start3A_235 = arith.constant 0 : i32
      %dma_start3A_236 = tpu.memref_slice %arg3[%add3A, %dma_start3A_235] : memref<32x512xi32, #tpu.memory_space<hbm>> -> memref<1x512xi32, #tpu.memory_space<hbm>>
      %dma_start3A_237 = tpu.memref_squeeze %dma_start3A_236 : memref<1x512xi32, #tpu.memory_space<hbm>> -> memref<512xi32, #tpu.memory_space<hbm>>
      tpu.enqueue_dma source(%dma_start3A_237 : memref<512xi32, #tpu.memory_space<hbm>>) target(%arg6 : memref<512xi32, #tpu.memory_space<vmem>>) target_semaphore(%run_scoped3A : memref<!tpu.dma_semaphore, #tpu.memory_space<semaphore_mem>>)
      %dma_wait3A_238 = arith.constant 0 : i32
      %dma_wait3A_239 = tpu.memref_slice %arg3[%add3A, %dma_wait3A_238] : memref<32x512xi32, #tpu.memory_space<hbm>> -> memref<1x512xi32, #tpu.memory_space<hbm>>
      %dma_wait3A_240 = tpu.memref_squeeze %dma_wait3A_239 : memref<1x512xi32, #tpu.memory_space<hbm>> -> memref<512xi32, #tpu.memory_space<hbm>>
      %dma_wait3A_241 = arith.constant 0 : i32
      %dma_wait3A_242 = tpu.memref_slice %arg3[%add3A, %dma_wait3A_241] : memref<32x512xi32, #tpu.memory_space<hbm>> -> memref<1x512xi32, #tpu.memory_space<hbm>>
      %dma_wait3A_243 = tpu.memref_squeeze %dma_wait3A_242 : memref<1x512xi32, #tpu.memory_space<hbm>> -> memref<512xi32, #tpu.memory_space<hbm>>
      tpu.wait_dma2 semaphore(%run_scoped3A : memref<!tpu.dma_semaphore, #tpu.memory_space<semaphore_mem>>) src(%dma_wait3A_243 : memref<512xi32, #tpu.memory_space<hbm>>) dst(%arg6 : memref<512xi32, #tpu.memory_space<vmem>>)
      tpu.yield
    }) : () -> ()
    %dma_start3A_17 = arith.constant 0 : i32
    %dma_start3A_18 = arith.constant 0 : i32
    %dma_start3A_19 = arith.constant 0 : i32
    %dma_start3A_20 = tpu.memref_slice %arg8[%dma_start3A_17, %dma_start3A_18, %dma_start3A_19] : memref<2x128x128xf32, #tpu.memory_space<vmem>> -> memref<1x128x128xf32, #tpu.memory_space<vmem>>
    %dma_start3A_21 = tpu.memref_squeeze %dma_start3A_20 : memref<1x128x128xf32, #tpu.memory_space<vmem>> -> memref<128x128xf32, #tpu.memory_space<vmem>>
    %dma_start3A_22 = arith.constant 0 : i32
    %dma_start3A_23 = tpu.memref_slice %arg6[%dma_start3A_22] : memref<512xi32, #tpu.memory_space<vmem>> -> memref<128xi32, #tpu.memory_space<vmem>>
    %dma_start3A_24 = arith.constant 0 : i32
    %dma_start3A_25 = arith.constant 0 : i32
    %dma_start3A_26 = tpu.memref_slice %arg4[%dma_start3A_24, %dma_start3A_25] : memref<100000x128xf32, #tpu.memory_space<hbm>> -> memref<100000x128xf32, #tpu.memory_space<hbm>>
    tpu.enqueue_indirect_dma source(%dma_start3A_26 : memref<100000x128xf32, #tpu.memory_space<hbm>>) target(%dma_start3A_21 : memref<128x128xf32, #tpu.memory_space<vmem>>) offsets(%dma_start3A_23 : memref<128xi32, #tpu.memory_space<vmem>>) semaphore(%arg12 : memref<!tpu.dma_semaphore, #tpu.memory_space<semaphore_mem>>)
    %broadcast_in_dim3A = arith.constant 0.000000e+00 : f32
    %broadcast_in_dim3A_27 = vector.broadcast %broadcast_in_dim3A : f32 to vector<16xf32>
    %dma_start3A_28 = arith.constant 1 : i32
    %dma_start3A_29 = arith.constant 0 : i32
    %dma_start3A_30 = arith.constant 0 : i32
    %dma_start3A_31 = tpu.memref_slice %arg7[%dma_start3A_28, %dma_start3A_29, %dma_start3A_30] : memref<2x128x128xf32, #tpu.memory_space<vmem>> -> memref<1x128x128xf32, #tpu.memory_space<vmem>>
    %dma_start3A_32 = tpu.memref_squeeze %dma_start3A_31 : memref<1x128x128xf32, #tpu.memory_space<vmem>> -> memref<128x128xf32, #tpu.memory_space<vmem>>
    %dma_start3A_33 = arith.constant 128 : i32
    %dma_start3A_34 = arith.constant 0 : i32
    %dma_start3A_35 = tpu.memref_slice %arg2[%add3A, %dma_start3A_33, %dma_start3A_34] : memref<32x512x128xf32, #tpu.memory_space<hbm>> -> memref<1x128x128xf32, #tpu.memory_space<hbm>>
    %dma_start3A_36 = tpu.memref_squeeze %dma_start3A_35 : memref<1x128x128xf32, #tpu.memory_space<hbm>> -> memref<128x128xf32, #tpu.memory_space<hbm>>
    %dma_start3A_37 = arith.constant 0 : i32
    %dma_start3A_38 = arith.constant 0 : i32
    %dma_start3A_39 = tpu.memref_slice %arg7[%dma_start3A_28, %dma_start3A_37, %dma_start3A_38] : memref<2x128x128xf32, #tpu.memory_space<vmem>> -> memref<1x128x128xf32, #tpu.memory_space<vmem>>
    %dma_start3A_40 = tpu.memref_squeeze %dma_start3A_39 : memref<1x128x128xf32, #tpu.memory_space<vmem>> -> memref<128x128xf32, #tpu.memory_space<vmem>>
    %dma_start3A_41 = arith.constant 128 : i32
    %dma_start3A_42 = arith.constant 0 : i32
    %dma_start3A_43 = tpu.memref_slice %arg2[%add3A, %dma_start3A_41, %dma_start3A_42] : memref<32x512x128xf32, #tpu.memory_space<hbm>> -> memref<1x128x128xf32, #tpu.memory_space<hbm>>
    %dma_start3A_44 = tpu.memref_squeeze %dma_start3A_43 : memref<1x128x128xf32, #tpu.memory_space<hbm>> -> memref<128x128xf32, #tpu.memory_space<hbm>>
    tpu.enqueue_dma source(%dma_start3A_44 : memref<128x128xf32, #tpu.memory_space<hbm>>) target(%dma_start3A_40 : memref<128x128xf32, #tpu.memory_space<vmem>>) target_semaphore(%arg11 : memref<!tpu.dma_semaphore, #tpu.memory_space<semaphore_mem>>)
    %dma_start3A_45 = arith.constant 1 : i32
    %dma_start3A_46 = arith.constant 0 : i32
    %dma_start3A_47 = arith.constant 0 : i32
    %dma_start3A_48 = tpu.memref_slice %arg8[%dma_start3A_45, %dma_start3A_46, %dma_start3A_47] : memref<2x128x128xf32, #tpu.memory_space<vmem>> -> memref<1x128x128xf32, #tpu.memory_space<vmem>>
    %dma_start3A_49 = tpu.memref_squeeze %dma_start3A_48 : memref<1x128x128xf32, #tpu.memory_space<vmem>> -> memref<128x128xf32, #tpu.memory_space<vmem>>
    %dma_start3A_50 = arith.constant 128 : i32
    %dma_start3A_51 = tpu.memref_slice %arg6[%dma_start3A_50] : memref<512xi32, #tpu.memory_space<vmem>> -> memref<128xi32, #tpu.memory_space<vmem>>
    %dma_start3A_52 = arith.constant 0 : i32
    %dma_start3A_53 = arith.constant 0 : i32
    %dma_start3A_54 = tpu.memref_slice %arg4[%dma_start3A_52, %dma_start3A_53] : memref<100000x128xf32, #tpu.memory_space<hbm>> -> memref<100000x128xf32, #tpu.memory_space<hbm>>
    tpu.enqueue_indirect_dma source(%dma_start3A_54 : memref<100000x128xf32, #tpu.memory_space<hbm>>) target(%dma_start3A_49 : memref<128x128xf32, #tpu.memory_space<vmem>>) offsets(%dma_start3A_51 : memref<128xi32, #tpu.memory_space<vmem>>) semaphore(%arg13 : memref<!tpu.dma_semaphore, #tpu.memory_space<semaphore_mem>>)
    %dma_wait3A = arith.constant 0 : i32
    %dma_wait3A_55 = arith.constant 0 : i32
    %dma_wait3A_56 = arith.constant 0 : i32
    %dma_wait3A_57 = tpu.memref_slice %arg7[%dma_wait3A, %dma_wait3A_55, %dma_wait3A_56] : memref<2x128x128xf32, #tpu.memory_space<vmem>> -> memref<1x128x128xf32, #tpu.memory_space<vmem>>
    %dma_wait3A_58 = tpu.memref_squeeze %dma_wait3A_57 : memref<1x128x128xf32, #tpu.memory_space<vmem>> -> memref<128x128xf32, #tpu.memory_space<vmem>>
    %dma_wait3A_59 = arith.constant 0 : i32
    %dma_wait3A_60 = arith.constant 0 : i32
    %dma_wait3A_61 = tpu.memref_slice %arg2[%add3A, %dma_wait3A_59, %dma_wait3A_60] : memref<32x512x128xf32, #tpu.memory_space<hbm>> -> memref<1x128x128xf32, #tpu.memory_space<hbm>>
    %dma_wait3A_62 = tpu.memref_squeeze %dma_wait3A_61 : memref<1x128x128xf32, #tpu.memory_space<hbm>> -> memref<128x128xf32, #tpu.memory_space<hbm>>
    %dma_wait3A_63 = arith.constant 0 : i32
    %dma_wait3A_64 = arith.constant 0 : i32
    %dma_wait3A_65 = tpu.memref_slice %arg7[%dma_wait3A, %dma_wait3A_63, %dma_wait3A_64] : memref<2x128x128xf32, #tpu.memory_space<vmem>> -> memref<1x128x128xf32, #tpu.memory_space<vmem>>
    %dma_wait3A_66 = tpu.memref_squeeze %dma_wait3A_65 : memref<1x128x128xf32, #tpu.memory_space<vmem>> -> memref<128x128xf32, #tpu.memory_space<vmem>>
    %dma_wait3A_67 = arith.constant 0 : i32
    %dma_wait3A_68 = arith.constant 0 : i32
    %dma_wait3A_69 = tpu.memref_slice %arg2[%add3A, %dma_wait3A_67, %dma_wait3A_68] : memref<32x512x128xf32, #tpu.memory_space<hbm>> -> memref<1x128x128xf32, #tpu.memory_space<hbm>>
    %dma_wait3A_70 = tpu.memref_squeeze %dma_wait3A_69 : memref<1x128x128xf32, #tpu.memory_space<hbm>> -> memref<128x128xf32, #tpu.memory_space<hbm>>
    tpu.wait_dma2 semaphore(%arg10 : memref<!tpu.dma_semaphore, #tpu.memory_space<semaphore_mem>>) src(%dma_wait3A_70 : memref<128x128xf32, #tpu.memory_space<hbm>>) dst(%dma_wait3A_66 : memref<128x128xf32, #tpu.memory_space<vmem>>)
    %dma_wait3A_71 = arith.constant 0 : i32
    %dma_wait3A_72 = arith.constant 0 : i32
    %dma_wait3A_73 = arith.constant 0 : i32
    %dma_wait3A_74 = tpu.memref_slice %arg8[%dma_wait3A_71, %dma_wait3A_72, %dma_wait3A_73] : memref<2x128x128xf32, #tpu.memory_space<vmem>> -> memref<1x128x128xf32, #tpu.memory_space<vmem>>
    %dma_wait3A_75 = tpu.memref_squeeze %dma_wait3A_74 : memref<1x128x128xf32, #tpu.memory_space<vmem>> -> memref<128x128xf32, #tpu.memory_space<vmem>>
    %dma_wait3A_76 = arith.constant 0 : i32
    %dma_wait3A_77 = tpu.memref_slice %arg6[%dma_wait3A_76] : memref<512xi32, #tpu.memory_space<vmem>> -> memref<128xi32, #tpu.memory_space<vmem>>
    %dma_wait3A_78 = arith.constant 0 : i32
    %dma_wait3A_79 = arith.constant 0 : i32
    %dma_wait3A_80 = tpu.memref_slice %arg4[%dma_wait3A_78, %dma_wait3A_79] : memref<100000x128xf32, #tpu.memory_space<hbm>> -> memref<100000x128xf32, #tpu.memory_space<hbm>>
    tpu.wait_indirect_dma semaphore(%arg12 : memref<!tpu.dma_semaphore, #tpu.memory_space<semaphore_mem>>) src(%dma_wait3A_80 : memref<100000x128xf32, #tpu.memory_space<hbm>>) dst(%dma_wait3A_75 : memref<128x128xf32, #tpu.memory_space<vmem>>)
    %parallel_loop3A = arith.constant 0 : i32
    %parallel_loop3A_81 = arith.constant 128 : i32
    %parallel_loop3A_82 = arith.constant 1 : i32
    %parallel_loop3A_83 = scf.for %parallel_loop3A_232 = %parallel_loop3A to %parallel_loop3A_81 step %parallel_loop3A_82 iter_args(%parallel_loop3A_233 = %broadcast_in_dim3A_27) -> (vector<16xf32>)  : i32 {
      %parallel_loop3A_234 = arith.constant 0 : i32
      %parallel_loop3A_235 = arith.index_cast %parallel_loop3A_234 : i32 to index
      %parallel_loop3A_236 = arith.index_cast %parallel_loop3A_232 : i32 to index
      %parallel_loop3A_237 = arith.constant 0 : index
      %parallel_loop3A_238 = tpu.vector_load %arg7[%parallel_loop3A_235, %parallel_loop3A_236, %parallel_loop3A_237] {strides = array<i32>} : memref<2x128x128xf32, #tpu.memory_space<vmem>>, vector<16xf32>,
      %parallel_loop3A_239 = arith.constant 0 : i32
      %parallel_loop3A_240 = arith.index_cast %parallel_loop3A_239 : i32 to index
      %parallel_loop3A_241 = arith.index_cast %parallel_loop3A_232 : i32 to index
      %parallel_loop3A_242 = arith.constant 0 : index
      %parallel_loop3A_243 = tpu.vector_load %arg8[%parallel_loop3A_240, %parallel_loop3A_241, %parallel_loop3A_242] {strides = array<i32>} : memref<2x128x128xf32, #tpu.memory_space<vmem>>, vector<16xf32>,
      %parallel_loop3A_244 = arith.subf %parallel_loop3A_238, %parallel_loop3A_243 : vector<16xf32>
      %parallel_loop3A_245 = arith.mulf %parallel_loop3A_244, %parallel_loop3A_244 : vector<16xf32>
      %parallel_loop3A_246 = arith.constant 0 : i32
      %parallel_loop3A_247 = arith.index_cast %parallel_loop3A_246 : i32 to index
      %parallel_loop3A_248 = arith.index_cast %parallel_loop3A_232 : i32 to index
      %parallel_loop3A_249 = arith.constant 16 : index
      %parallel_loop3A_250 = tpu.vector_load %arg7[%parallel_loop3A_247, %parallel_loop3A_248, %parallel_loop3A_249] {strides = array<i32>} : memref<2x128x128xf32, #tpu.memory_space<vmem>>, vector<16xf32>,
      %parallel_loop3A_251 = arith.constant 0 : i32
      %parallel_loop3A_252 = arith.index_cast %parallel_loop3A_251 : i32 to index
      %parallel_loop3A_253 = arith.index_cast %parallel_loop3A_232 : i32 to index
      %parallel_loop3A_254 = arith.constant 16 : index
      %parallel_loop3A_255 = tpu.vector_load %arg8[%parallel_loop3A_252, %parallel_loop3A_253, %parallel_loop3A_254] {strides = array<i32>} : memref<2x128x128xf32, #tpu.memory_space<vmem>>, vector<16xf32>,
      %parallel_loop3A_256 = arith.subf %parallel_loop3A_250, %parallel_loop3A_255 : vector<16xf32>
      %parallel_loop3A_257 = arith.mulf %parallel_loop3A_256, %parallel_loop3A_256 : vector<16xf32>
      %parallel_loop3A_258 = arith.addf %parallel_loop3A_245, %parallel_loop3A_257 : vector<16xf32>
      %parallel_loop3A_259 = arith.constant 0 : i32
      %parallel_loop3A_260 = arith.index_cast %parallel_loop3A_259 : i32 to index
      %parallel_loop3A_261 = arith.index_cast %parallel_loop3A_232 : i32 to index
      %parallel_loop3A_262 = arith.constant 32 : index
      %parallel_loop3A_263 = tpu.vector_load %arg7[%parallel_loop3A_260, %parallel_loop3A_261, %parallel_loop3A_262] {strides = array<i32>} : memref<2x128x128xf32, #tpu.memory_space<vmem>>, vector<16xf32>,
      %parallel_loop3A_264 = arith.constant 0 : i32
      %parallel_loop3A_265 = arith.index_cast %parallel_loop3A_264 : i32 to index
      %parallel_loop3A_266 = arith.index_cast %parallel_loop3A_232 : i32 to index
      %parallel_loop3A_267 = arith.constant 32 : index
      %parallel_loop3A_268 = tpu.vector_load %arg8[%parallel_loop3A_265, %parallel_loop3A_266, %parallel_loop3A_267] {strides = array<i32>} : memref<2x128x128xf32, #tpu.memory_space<vmem>>, vector<16xf32>,
      %parallel_loop3A_269 = arith.subf %parallel_loop3A_263, %parallel_loop3A_268 : vector<16xf32>
      %parallel_loop3A_270 = arith.mulf %parallel_loop3A_269, %parallel_loop3A_269 : vector<16xf32>
      %parallel_loop3A_271 = arith.addf %parallel_loop3A_258, %parallel_loop3A_270 : vector<16xf32>
      %parallel_loop3A_272 = arith.constant 0 : i32
      %parallel_loop3A_273 = arith.index_cast %parallel_loop3A_272 : i32 to index
      %parallel_loop3A_274 = arith.index_cast %parallel_loop3A_232 : i32 to index
      %parallel_loop3A_275 = arith.constant 48 : index
      %parallel_loop3A_276 = tpu.vector_load %arg7[%parallel_loop3A_273, %parallel_loop3A_274, %parallel_loop3A_275] {strides = array<i32>} : memref<2x128x128xf32, #tpu.memory_space<vmem>>, vector<16xf32>,
      %parallel_loop3A_277 = arith.constant 0 : i32
      %parallel_loop3A_278 = arith.index_cast %parallel_loop3A_277 : i32 to index
      %parallel_loop3A_279 = arith.index_cast %parallel_loop3A_232 : i32 to index
      %parallel_loop3A_280 = arith.constant 48 : index
      %parallel_loop3A_281 = tpu.vector_load %arg8[%parallel_loop3A_278, %parallel_loop3A_279, %parallel_loop3A_280] {strides = array<i32>} : memref<2x128x128xf32, #tpu.memory_space<vmem>>, vector<16xf32>,
      %parallel_loop3A_282 = arith.subf %parallel_loop3A_276, %parallel_loop3A_281 : vector<16xf32>
      %parallel_loop3A_283 = arith.mulf %parallel_loop3A_282, %parallel_loop3A_282 : vector<16xf32>
      %parallel_loop3A_284 = arith.addf %parallel_loop3A_271, %parallel_loop3A_283 : vector<16xf32>
      %parallel_loop3A_285 = arith.constant 0 : i32
      %parallel_loop3A_286 = arith.index_cast %parallel_loop3A_285 : i32 to index
      %parallel_loop3A_287 = arith.index_cast %parallel_loop3A_232 : i32 to index
      %parallel_loop3A_288 = arith.constant 64 : index
      %parallel_loop3A_289 = tpu.vector_load %arg7[%parallel_loop3A_286, %parallel_loop3A_287, %parallel_loop3A_288] {strides = array<i32>} : memref<2x128x128xf32, #tpu.memory_space<vmem>>, vector<16xf32>,
      %parallel_loop3A_290 = arith.constant 0 : i32
      %parallel_loop3A_291 = arith.index_cast %parallel_loop3A_290 : i32 to index
      %parallel_loop3A_292 = arith.index_cast %parallel_loop3A_232 : i32 to index
      %parallel_loop3A_293 = arith.constant 64 : index
      %parallel_loop3A_294 = tpu.vector_load %arg8[%parallel_loop3A_291, %parallel_loop3A_292, %parallel_loop3A_293] {strides = array<i32>} : memref<2x128x128xf32, #tpu.memory_space<vmem>>, vector<16xf32>,
      %parallel_loop3A_295 = arith.subf %parallel_loop3A_289, %parallel_loop3A_294 : vector<16xf32>
      %parallel_loop3A_296 = arith.mulf %parallel_loop3A_295, %parallel_loop3A_295 : vector<16xf32>
      %parallel_loop3A_297 = arith.addf %parallel_loop3A_284, %parallel_loop3A_296 : vector<16xf32>
      %parallel_loop3A_298 = arith.constant 0 : i32
      %parallel_loop3A_299 = arith.index_cast %parallel_loop3A_298 : i32 to index
      %parallel_loop3A_300 = arith.index_cast %parallel_loop3A_232 : i32 to index
      %parallel_loop3A_301 = arith.constant 80 : index
      %parallel_loop3A_302 = tpu.vector_load %arg7[%parallel_loop3A_299, %parallel_loop3A_300, %parallel_loop3A_301] {strides = array<i32>} : memref<2x128x128xf32, #tpu.memory_space<vmem>>, vector<16xf32>,
      %parallel_loop3A_303 = arith.constant 0 : i32
      %parallel_loop3A_304 = arith.index_cast %parallel_loop3A_303 : i32 to index
      %parallel_loop3A_305 = arith.index_cast %parallel_loop3A_232 : i32 to index
      %parallel_loop3A_306 = arith.constant 80 : index
      %parallel_loop3A_307 = tpu.vector_load %arg8[%parallel_loop3A_304, %parallel_loop3A_305, %parallel_loop3A_306] {strides = array<i32>} : memref<2x128x128xf32, #tpu.memory_space<vmem>>, vector<16xf32>,
      %parallel_loop3A_308 = arith.subf %parallel_loop3A_302, %parallel_loop3A_307 : vector<16xf32>
      %parallel_loop3A_309 = arith.mulf %parallel_loop3A_308, %parallel_loop3A_308 : vector<16xf32>
      %parallel_loop3A_310 = arith.addf %parallel_loop3A_297, %parallel_loop3A_309 : vector<16xf32>
      %parallel_loop3A_311 = arith.constant 0 : i32
      %parallel_loop3A_312 = arith.index_cast %parallel_loop3A_311 : i32 to index
      %parallel_loop3A_313 = arith.index_cast %parallel_loop3A_232 : i32 to index
      %parallel_loop3A_314 = arith.constant 96 : index
      %parallel_loop3A_315 = tpu.vector_load %arg7[%parallel_loop3A_312, %parallel_loop3A_313, %parallel_loop3A_314] {strides = array<i32>} : memref<2x128x128xf32, #tpu.memory_space<vmem>>, vector<16xf32>,
      %parallel_loop3A_316 = arith.constant 0 : i32
      %parallel_loop3A_317 = arith.index_cast %parallel_loop3A_316 : i32 to index
      %parallel_loop3A_318 = arith.index_cast %parallel_loop3A_232 : i32 to index
      %parallel_loop3A_319 = arith.constant 96 : index
      %parallel_loop3A_320 = tpu.vector_load %arg8[%parallel_loop3A_317, %parallel_loop3A_318, %parallel_loop3A_319] {strides = array<i32>} : memref<2x128x128xf32, #tpu.memory_space<vmem>>, vector<16xf32>,
      %parallel_loop3A_321 = arith.subf %parallel_loop3A_315, %parallel_loop3A_320 : vector<16xf32>
      %parallel_loop3A_322 = arith.mulf %parallel_loop3A_321, %parallel_loop3A_321 : vector<16xf32>
      %parallel_loop3A_323 = arith.addf %parallel_loop3A_310, %parallel_loop3A_322 : vector<16xf32>
      %parallel_loop3A_324 = arith.constant 0 : i32
      %parallel_loop3A_325 = arith.index_cast %parallel_loop3A_324 : i32 to index
      %parallel_loop3A_326 = arith.index_cast %parallel_loop3A_232 : i32 to index
      %parallel_loop3A_327 = arith.constant 112 : index
      %parallel_loop3A_328 = tpu.vector_load %arg7[%parallel_loop3A_325, %parallel_loop3A_326, %parallel_loop3A_327] {strides = array<i32>} : memref<2x128x128xf32, #tpu.memory_space<vmem>>, vector<16xf32>,
      %parallel_loop3A_329 = arith.constant 0 : i32
      %parallel_loop3A_330 = arith.index_cast %parallel_loop3A_329 : i32 to index
      %parallel_loop3A_331 = arith.index_cast %parallel_loop3A_232 : i32 to index
      %parallel_loop3A_332 = arith.constant 112 : index
      %parallel_loop3A_333 = tpu.vector_load %arg8[%parallel_loop3A_330, %parallel_loop3A_331, %parallel_loop3A_332] {strides = array<i32>} : memref<2x128x128xf32, #tpu.memory_space<vmem>>, vector<16xf32>,
      %parallel_loop3A_334 = arith.subf %parallel_loop3A_328, %parallel_loop3A_333 : vector<16xf32>
      %parallel_loop3A_335 = arith.mulf %parallel_loop3A_334, %parallel_loop3A_334 : vector<16xf32>
      %parallel_loop3A_336 = arith.addf %parallel_loop3A_323, %parallel_loop3A_335 : vector<16xf32>
      %parallel_loop3A_337 = arith.constant true
      %parallel_loop3A_338 = vector.broadcast %parallel_loop3A_337 : i1 to vector<16xi1>
      %parallel_loop3A_339 = tpu.scan <sum>, %parallel_loop3A_336 masked %parallel_loop3A_338 : vector<16xf32>, vector<16xi1> -> vector<16xf32>
      %parallel_loop3A_340 = arith.constant 9.99999996E-13 : f32
      %parallel_loop3A_341 = vector.broadcast %parallel_loop3A_340 : f32 to vector<16xf32>
      %parallel_loop3A_342 = arith.maximumf %parallel_loop3A_339, %parallel_loop3A_341 : vector<16xf32>
      %parallel_loop3A_343 = arith.constant 9.99999995E+11 : f32
      %parallel_loop3A_344 = vector.broadcast %parallel_loop3A_343 : f32 to vector<16xf32>
      %parallel_loop3A_345 = arith.minimumf %parallel_loop3A_342, %parallel_loop3A_344 : vector<16xf32>
      %parallel_loop3A_346 = arith.addf %parallel_loop3A_233, %parallel_loop3A_345 : vector<16xf32>
      scf.yield %parallel_loop3A_346 : vector<16xf32>
    } {sc.loop_unroll_factor = 4 : i64, sc.parallel_access}
    %dma_start3A_84 = arith.constant 0 : i32
    %dma_start3A_85 = arith.constant 0 : i32
    %dma_start3A_86 = arith.constant 0 : i32
    %dma_start3A_87 = tpu.memref_slice %arg7[%dma_start3A_84, %dma_start3A_85, %dma_start3A_86] : memref<2x128x128xf32, #tpu.memory_space<vmem>> -> memref<1x128x128xf32, #tpu.memory_space<vmem>>
    %dma_start3A_88 = tpu.memref_squeeze %dma_start3A_87 : memref<1x128x128xf32, #tpu.memory_space<vmem>> -> memref<128x128xf32, #tpu.memory_space<vmem>>
    %dma_start3A_89 = arith.constant 256 : i32
    %dma_start3A_90 = arith.constant 0 : i32
    %dma_start3A_91 = tpu.memref_slice %arg2[%add3A, %dma_start3A_89, %dma_start3A_90] : memref<32x512x128xf32, #tpu.memory_space<hbm>> -> memref<1x128x128xf32, #tpu.memory_space<hbm>>
    %dma_start3A_92 = tpu.memref_squeeze %dma_start3A_91 : memref<1x128x128xf32, #tpu.memory_space<hbm>> -> memref<128x128xf32, #tpu.memory_space<hbm>>
    %dma_start3A_93 = arith.constant 0 : i32
    %dma_start3A_94 = arith.constant 0 : i32
    %dma_start3A_95 = tpu.memref_slice %arg7[%dma_start3A_84, %dma_start3A_93, %dma_start3A_94] : memref<2x128x128xf32, #tpu.memory_space<vmem>> -> memref<1x128x128xf32, #tpu.memory_space<vmem>>
    %dma_start3A_96 = tpu.memref_squeeze %dma_start3A_95 : memref<1x128x128xf32, #tpu.memory_space<vmem>> -> memref<128x128xf32, #tpu.memory_space<vmem>>
    %dma_start3A_97 = arith.constant 256 : i32
    %dma_start3A_98 = arith.constant 0 : i32
    %dma_start3A_99 = tpu.memref_slice %arg2[%add3A, %dma_start3A_97, %dma_start3A_98] : memref<32x512x128xf32, #tpu.memory_space<hbm>> -> memref<1x128x128xf32, #tpu.memory_space<hbm>>
    %dma_start3A_100 = tpu.memref_squeeze %dma_start3A_99 : memref<1x128x128xf32, #tpu.memory_space<hbm>> -> memref<128x128xf32, #tpu.memory_space<hbm>>
    tpu.enqueue_dma source(%dma_start3A_100 : memref<128x128xf32, #tpu.memory_space<hbm>>) target(%dma_start3A_96 : memref<128x128xf32, #tpu.memory_space<vmem>>) target_semaphore(%arg10 : memref<!tpu.dma_semaphore, #tpu.memory_space<semaphore_mem>>)
    %dma_start3A_101 = arith.constant 0 : i32
    %dma_start3A_102 = arith.constant 0 : i32
    %dma_start3A_103 = arith.constant 0 : i32
    %dma_start3A_104 = tpu.memref_slice %arg8[%dma_start3A_101, %dma_start3A_102, %dma_start3A_103] : memref<2x128x128xf32, #tpu.memory_space<vmem>> -> memref<1x128x128xf32, #tpu.memory_space<vmem>>
    %dma_start3A_105 = tpu.memref_squeeze %dma_start3A_104 : memref<1x128x128xf32, #tpu.memory_space<vmem>> -> memref<128x128xf32, #tpu.memory_space<vmem>>
    %dma_start3A_106 = arith.constant 256 : i32
    %dma_start3A_107 = tpu.memref_slice %arg6[%dma_start3A_106] : memref<512xi32, #tpu.memory_space<vmem>> -> memref<128xi32, #tpu.memory_space<vmem>>
    %dma_start3A_108 = arith.constant 0 : i32
    %dma_start3A_109 = arith.constant 0 : i32
    %dma_start3A_110 = tpu.memref_slice %arg4[%dma_start3A_108, %dma_start3A_109] : memref<100000x128xf32, #tpu.memory_space<hbm>> -> memref<100000x128xf32, #tpu.memory_space<hbm>>
    tpu.enqueue_indirect_dma source(%dma_start3A_110 : memref<100000x128xf32, #tpu.memory_space<hbm>>) target(%dma_start3A_105 : memref<128x128xf32, #tpu.memory_space<vmem>>) offsets(%dma_start3A_107 : memref<128xi32, #tpu.memory_space<vmem>>) semaphore(%arg12 : memref<!tpu.dma_semaphore, #tpu.memory_space<semaphore_mem>>)
    %dma_wait3A_111 = arith.constant 1 : i32
    %dma_wait3A_112 = arith.constant 0 : i32
    %dma_wait3A_113 = arith.constant 0 : i32
    %dma_wait3A_114 = tpu.memref_slice %arg7[%dma_wait3A_111, %dma_wait3A_112, %dma_wait3A_113] : memref<2x128x128xf32, #tpu.memory_space<vmem>> -> memref<1x128x128xf32, #tpu.memory_space<vmem>>
    %dma_wait3A_115 = tpu.memref_squeeze %dma_wait3A_114 : memref<1x128x128xf32, #tpu.memory_space<vmem>> -> memref<128x128xf32, #tpu.memory_space<vmem>>
    %dma_wait3A_116 = arith.constant 128 : i32
    %dma_wait3A_117 = arith.constant 0 : i32
    %dma_wait3A_118 = tpu.memref_slice %arg2[%add3A, %dma_wait3A_116, %dma_wait3A_117] : memref<32x512x128xf32, #tpu.memory_space<hbm>> -> memref<1x128x128xf32, #tpu.memory_space<hbm>>
    %dma_wait3A_119 = tpu.memref_squeeze %dma_wait3A_118 : memref<1x128x128xf32, #tpu.memory_space<hbm>> -> memref<128x128xf32, #tpu.memory_space<hbm>>
    %dma_wait3A_120 = arith.constant 0 : i32
    %dma_wait3A_121 = arith.constant 0 : i32
    %dma_wait3A_122 = tpu.memref_slice %arg7[%dma_wait3A_111, %dma_wait3A_120, %dma_wait3A_121] : memref<2x128x128xf32, #tpu.memory_space<vmem>> -> memref<1x128x128xf32, #tpu.memory_space<vmem>>
    %dma_wait3A_123 = tpu.memref_squeeze %dma_wait3A_122 : memref<1x128x128xf32, #tpu.memory_space<vmem>> -> memref<128x128xf32, #tpu.memory_space<vmem>>
    %dma_wait3A_124 = arith.constant 128 : i32
    %dma_wait3A_125 = arith.constant 0 : i32
    %dma_wait3A_126 = tpu.memref_slice %arg2[%add3A, %dma_wait3A_124, %dma_wait3A_125] : memref<32x512x128xf32, #tpu.memory_space<hbm>> -> memref<1x128x128xf32, #tpu.memory_space<hbm>>
    %dma_wait3A_127 = tpu.memref_squeeze %dma_wait3A_126 : memref<1x128x128xf32, #tpu.memory_space<hbm>> -> memref<128x128xf32, #tpu.memory_space<hbm>>
    tpu.wait_dma2 semaphore(%arg11 : memref<!tpu.dma_semaphore, #tpu.memory_space<semaphore_mem>>) src(%dma_wait3A_127 : memref<128x128xf32, #tpu.memory_space<hbm>>) dst(%dma_wait3A_123 : memref<128x128xf32, #tpu.memory_space<vmem>>)
    %dma_wait3A_128 = arith.constant 1 : i32
    %dma_wait3A_129 = arith.constant 0 : i32
    %dma_wait3A_130 = arith.constant 0 : i32
    %dma_wait3A_131 = tpu.memref_slice %arg8[%dma_wait3A_128, %dma_wait3A_129, %dma_wait3A_130] : memref<2x128x128xf32, #tpu.memory_space<vmem>> -> memref<1x128x128xf32, #tpu.memory_space<vmem>>
    %dma_wait3A_132 = tpu.memref_squeeze %dma_wait3A_131 : memref<1x128x128xf32, #tpu.memory_space<vmem>> -> memref<128x128xf32, #tpu.memory_space<vmem>>
    %dma_wait3A_133 = arith.constant 128 : i32
    %dma_wait3A_134 = tpu.memref_slice %arg6[%dma_wait3A_133] : memref<512xi32, #tpu.memory_space<vmem>> -> memref<128xi32, #tpu.memory_space<vmem>>
    %dma_wait3A_135 = arith.constant 0 : i32
    %dma_wait3A_136 = arith.constant 0 : i32
    %dma_wait3A_137 = tpu.memref_slice %arg4[%dma_wait3A_135, %dma_wait3A_136] : memref<100000x128xf32, #tpu.memory_space<hbm>> -> memref<100000x128xf32, #tpu.memory_space<hbm>>
    tpu.wait_indirect_dma semaphore(%arg13 : memref<!tpu.dma_semaphore, #tpu.memory_space<semaphore_mem>>) src(%dma_wait3A_137 : memref<100000x128xf32, #tpu.memory_space<hbm>>) dst(%dma_wait3A_132 : memref<128x128xf32, #tpu.memory_space<vmem>>)
    %parallel_loop3A_138 = arith.constant 0 : i32
    %parallel_loop3A_139 = arith.constant 128 : i32
    %parallel_loop3A_140 = arith.constant 1 : i32
    %parallel_loop3A_141 = scf.for %parallel_loop3A_232 = %parallel_loop3A_138 to %parallel_loop3A_139 step %parallel_loop3A_140 iter_args(%parallel_loop3A_233 = %parallel_loop3A_83) -> (vector<16xf32>)  : i32 {
      %parallel_loop3A_234 = arith.constant 1 : i32
      %parallel_loop3A_235 = arith.index_cast %parallel_loop3A_234 : i32 to index
      %parallel_loop3A_236 = arith.index_cast %parallel_loop3A_232 : i32 to index
      %parallel_loop3A_237 = arith.constant 0 : index
      %parallel_loop3A_238 = tpu.vector_load %arg7[%parallel_loop3A_235, %parallel_loop3A_236, %parallel_loop3A_237] {strides = array<i32>} : memref<2x128x128xf32, #tpu.memory_space<vmem>>, vector<16xf32>,
      %parallel_loop3A_239 = arith.constant 1 : i32
      %parallel_loop3A_240 = arith.index_cast %parallel_loop3A_239 : i32 to index
      %parallel_loop3A_241 = arith.index_cast %parallel_loop3A_232 : i32 to index
      %parallel_loop3A_242 = arith.constant 0 : index
      %parallel_loop3A_243 = tpu.vector_load %arg8[%parallel_loop3A_240, %parallel_loop3A_241, %parallel_loop3A_242] {strides = array<i32>} : memref<2x128x128xf32, #tpu.memory_space<vmem>>, vector<16xf32>,
      %parallel_loop3A_244 = arith.subf %parallel_loop3A_238, %parallel_loop3A_243 : vector<16xf32>
      %parallel_loop3A_245 = arith.mulf %parallel_loop3A_244, %parallel_loop3A_244 : vector<16xf32>
      %parallel_loop3A_246 = arith.constant 1 : i32
      %parallel_loop3A_247 = arith.index_cast %parallel_loop3A_246 : i32 to index
      %parallel_loop3A_248 = arith.index_cast %parallel_loop3A_232 : i32 to index
      %parallel_loop3A_249 = arith.constant 16 : index
      %parallel_loop3A_250 = tpu.vector_load %arg7[%parallel_loop3A_247, %parallel_loop3A_248, %parallel_loop3A_249] {strides = array<i32>} : memref<2x128x128xf32, #tpu.memory_space<vmem>>, vector<16xf32>,
      %parallel_loop3A_251 = arith.constant 1 : i32
      %parallel_loop3A_252 = arith.index_cast %parallel_loop3A_251 : i32 to index
      %parallel_loop3A_253 = arith.index_cast %parallel_loop3A_232 : i32 to index
      %parallel_loop3A_254 = arith.constant 16 : index
      %parallel_loop3A_255 = tpu.vector_load %arg8[%parallel_loop3A_252, %parallel_loop3A_253, %parallel_loop3A_254] {strides = array<i32>} : memref<2x128x128xf32, #tpu.memory_space<vmem>>, vector<16xf32>,
      %parallel_loop3A_256 = arith.subf %parallel_loop3A_250, %parallel_loop3A_255 : vector<16xf32>
      %parallel_loop3A_257 = arith.mulf %parallel_loop3A_256, %parallel_loop3A_256 : vector<16xf32>
      %parallel_loop3A_258 = arith.addf %parallel_loop3A_245, %parallel_loop3A_257 : vector<16xf32>
      %parallel_loop3A_259 = arith.constant 1 : i32
      %parallel_loop3A_260 = arith.index_cast %parallel_loop3A_259 : i32 to index
      %parallel_loop3A_261 = arith.index_cast %parallel_loop3A_232 : i32 to index
      %parallel_loop3A_262 = arith.constant 32 : index
      %parallel_loop3A_263 = tpu.vector_load %arg7[%parallel_loop3A_260, %parallel_loop3A_261, %parallel_loop3A_262] {strides = array<i32>} : memref<2x128x128xf32, #tpu.memory_space<vmem>>, vector<16xf32>,
      %parallel_loop3A_264 = arith.constant 1 : i32
      %parallel_loop3A_265 = arith.index_cast %parallel_loop3A_264 : i32 to index
      %parallel_loop3A_266 = arith.index_cast %parallel_loop3A_232 : i32 to index
      %parallel_loop3A_267 = arith.constant 32 : index
      %parallel_loop3A_268 = tpu.vector_load %arg8[%parallel_loop3A_265, %parallel_loop3A_266, %parallel_loop3A_267] {strides = array<i32>} : memref<2x128x128xf32, #tpu.memory_space<vmem>>, vector<16xf32>,
      %parallel_loop3A_269 = arith.subf %parallel_loop3A_263, %parallel_loop3A_268 : vector<16xf32>
      %parallel_loop3A_270 = arith.mulf %parallel_loop3A_269, %parallel_loop3A_269 : vector<16xf32>
      %parallel_loop3A_271 = arith.addf %parallel_loop3A_258, %parallel_loop3A_270 : vector<16xf32>
      %parallel_loop3A_272 = arith.constant 1 : i32
      %parallel_loop3A_273 = arith.index_cast %parallel_loop3A_272 : i32 to index
      %parallel_loop3A_274 = arith.index_cast %parallel_loop3A_232 : i32 to index
      %parallel_loop3A_275 = arith.constant 48 : index
      %parallel_loop3A_276 = tpu.vector_load %arg7[%parallel_loop3A_273, %parallel_loop3A_274, %parallel_loop3A_275] {strides = array<i32>} : memref<2x128x128xf32, #tpu.memory_space<vmem>>, vector<16xf32>,
      %parallel_loop3A_277 = arith.constant 1 : i32
      %parallel_loop3A_278 = arith.index_cast %parallel_loop3A_277 : i32 to index
      %parallel_loop3A_279 = arith.index_cast %parallel_loop3A_232 : i32 to index
      %parallel_loop3A_280 = arith.constant 48 : index
      %parallel_loop3A_281 = tpu.vector_load %arg8[%parallel_loop3A_278, %parallel_loop3A_279, %parallel_loop3A_280] {strides = array<i32>} : memref<2x128x128xf32, #tpu.memory_space<vmem>>, vector<16xf32>,
      %parallel_loop3A_282 = arith.subf %parallel_loop3A_276, %parallel_loop3A_281 : vector<16xf32>
      %parallel_loop3A_283 = arith.mulf %parallel_loop3A_282, %parallel_loop3A_282 : vector<16xf32>
      %parallel_loop3A_284 = arith.addf %parallel_loop3A_271, %parallel_loop3A_283 : vector<16xf32>
      %parallel_loop3A_285 = arith.constant 1 : i32
      %parallel_loop3A_286 = arith.index_cast %parallel_loop3A_285 : i32 to index
      %parallel_loop3A_287 = arith.index_cast %parallel_loop3A_232 : i32 to index
      %parallel_loop3A_288 = arith.constant 64 : index
      %parallel_loop3A_289 = tpu.vector_load %arg7[%parallel_loop3A_286, %parallel_loop3A_287, %parallel_loop3A_288] {strides = array<i32>} : memref<2x128x128xf32, #tpu.memory_space<vmem>>, vector<16xf32>,
      %parallel_loop3A_290 = arith.constant 1 : i32
      %parallel_loop3A_291 = arith.index_cast %parallel_loop3A_290 : i32 to index
      %parallel_loop3A_292 = arith.index_cast %parallel_loop3A_232 : i32 to index
      %parallel_loop3A_293 = arith.constant 64 : index
      %parallel_loop3A_294 = tpu.vector_load %arg8[%parallel_loop3A_291, %parallel_loop3A_292, %parallel_loop3A_293] {strides = array<i32>} : memref<2x128x128xf32, #tpu.memory_space<vmem>>, vector<16xf32>,
      %parallel_loop3A_295 = arith.subf %parallel_loop3A_289, %parallel_loop3A_294 : vector<16xf32>
      %parallel_loop3A_296 = arith.mulf %parallel_loop3A_295, %parallel_loop3A_295 : vector<16xf32>
      %parallel_loop3A_297 = arith.addf %parallel_loop3A_284, %parallel_loop3A_296 : vector<16xf32>
      %parallel_loop3A_298 = arith.constant 1 : i32
      %parallel_loop3A_299 = arith.index_cast %parallel_loop3A_298 : i32 to index
      %parallel_loop3A_300 = arith.index_cast %parallel_loop3A_232 : i32 to index
      %parallel_loop3A_301 = arith.constant 80 : index
      %parallel_loop3A_302 = tpu.vector_load %arg7[%parallel_loop3A_299, %parallel_loop3A_300, %parallel_loop3A_301] {strides = array<i32>} : memref<2x128x128xf32, #tpu.memory_space<vmem>>, vector<16xf32>,
      %parallel_loop3A_303 = arith.constant 1 : i32
      %parallel_loop3A_304 = arith.index_cast %parallel_loop3A_303 : i32 to index
      %parallel_loop3A_305 = arith.index_cast %parallel_loop3A_232 : i32 to index
      %parallel_loop3A_306 = arith.constant 80 : index
      %parallel_loop3A_307 = tpu.vector_load %arg8[%parallel_loop3A_304, %parallel_loop3A_305, %parallel_loop3A_306] {strides = array<i32>} : memref<2x128x128xf32, #tpu.memory_space<vmem>>, vector<16xf32>,
      %parallel_loop3A_308 = arith.subf %parallel_loop3A_302, %parallel_loop3A_307 : vector<16xf32>
      %parallel_loop3A_309 = arith.mulf %parallel_loop3A_308, %parallel_loop3A_308 : vector<16xf32>
      %parallel_loop3A_310 = arith.addf %parallel_loop3A_297, %parallel_loop3A_309 : vector<16xf32>
      %parallel_loop3A_311 = arith.constant 1 : i32
      %parallel_loop3A_312 = arith.index_cast %parallel_loop3A_311 : i32 to index
      %parallel_loop3A_313 = arith.index_cast %parallel_loop3A_232 : i32 to index
      %parallel_loop3A_314 = arith.constant 96 : index
      %parallel_loop3A_315 = tpu.vector_load %arg7[%parallel_loop3A_312, %parallel_loop3A_313, %parallel_loop3A_314] {strides = array<i32>} : memref<2x128x128xf32, #tpu.memory_space<vmem>>, vector<16xf32>,
      %parallel_loop3A_316 = arith.constant 1 : i32
      %parallel_loop3A_317 = arith.index_cast %parallel_loop3A_316 : i32 to index
      %parallel_loop3A_318 = arith.index_cast %parallel_loop3A_232 : i32 to index
      %parallel_loop3A_319 = arith.constant 96 : index
      %parallel_loop3A_320 = tpu.vector_load %arg8[%parallel_loop3A_317, %parallel_loop3A_318, %parallel_loop3A_319] {strides = array<i32>} : memref<2x128x128xf32, #tpu.memory_space<vmem>>, vector<16xf32>,
      %parallel_loop3A_321 = arith.subf %parallel_loop3A_315, %parallel_loop3A_320 : vector<16xf32>
      %parallel_loop3A_322 = arith.mulf %parallel_loop3A_321, %parallel_loop3A_321 : vector<16xf32>
      %parallel_loop3A_323 = arith.addf %parallel_loop3A_310, %parallel_loop3A_322 : vector<16xf32>
      %parallel_loop3A_324 = arith.constant 1 : i32
      %parallel_loop3A_325 = arith.index_cast %parallel_loop3A_324 : i32 to index
      %parallel_loop3A_326 = arith.index_cast %parallel_loop3A_232 : i32 to index
      %parallel_loop3A_327 = arith.constant 112 : index
      %parallel_loop3A_328 = tpu.vector_load %arg7[%parallel_loop3A_325, %parallel_loop3A_326, %parallel_loop3A_327] {strides = array<i32>} : memref<2x128x128xf32, #tpu.memory_space<vmem>>, vector<16xf32>,
      %parallel_loop3A_329 = arith.constant 1 : i32
      %parallel_loop3A_330 = arith.index_cast %parallel_loop3A_329 : i32 to index
      %parallel_loop3A_331 = arith.index_cast %parallel_loop3A_232 : i32 to index
      %parallel_loop3A_332 = arith.constant 112 : index
      %parallel_loop3A_333 = tpu.vector_load %arg8[%parallel_loop3A_330, %parallel_loop3A_331, %parallel_loop3A_332] {strides = array<i32>} : memref<2x128x128xf32, #tpu.memory_space<vmem>>, vector<16xf32>,
      %parallel_loop3A_334 = arith.subf %parallel_loop3A_328, %parallel_loop3A_333 : vector<16xf32>
      %parallel_loop3A_335 = arith.mulf %parallel_loop3A_334, %parallel_loop3A_334 : vector<16xf32>
      %parallel_loop3A_336 = arith.addf %parallel_loop3A_323, %parallel_loop3A_335 : vector<16xf32>
      %parallel_loop3A_337 = arith.constant true
      %parallel_loop3A_338 = vector.broadcast %parallel_loop3A_337 : i1 to vector<16xi1>
      %parallel_loop3A_339 = tpu.scan <sum>, %parallel_loop3A_336 masked %parallel_loop3A_338 : vector<16xf32>, vector<16xi1> -> vector<16xf32>
      %parallel_loop3A_340 = arith.constant 9.99999996E-13 : f32
      %parallel_loop3A_341 = vector.broadcast %parallel_loop3A_340 : f32 to vector<16xf32>
      %parallel_loop3A_342 = arith.maximumf %parallel_loop3A_339, %parallel_loop3A_341 : vector<16xf32>
      %parallel_loop3A_343 = arith.constant 9.99999995E+11 : f32
      %parallel_loop3A_344 = vector.broadcast %parallel_loop3A_343 : f32 to vector<16xf32>
      %parallel_loop3A_345 = arith.minimumf %parallel_loop3A_342, %parallel_loop3A_344 : vector<16xf32>
      %parallel_loop3A_346 = arith.addf %parallel_loop3A_233, %parallel_loop3A_345 : vector<16xf32>
      scf.yield %parallel_loop3A_346 : vector<16xf32>
    } {sc.loop_unroll_factor = 4 : i64, sc.parallel_access}
    %dma_start3A_142 = arith.constant 1 : i32
    %dma_start3A_143 = arith.constant 0 : i32
    %dma_start3A_144 = arith.constant 0 : i32
    %dma_start3A_145 = tpu.memref_slice %arg7[%dma_start3A_142, %dma_start3A_143, %dma_start3A_144] : memref<2x128x128xf32, #tpu.memory_space<vmem>> -> memref<1x128x128xf32, #tpu.memory_space<vmem>>
    %dma_start3A_146 = tpu.memref_squeeze %dma_start3A_145 : memref<1x128x128xf32, #tpu.memory_space<vmem>> -> memref<128x128xf32, #tpu.memory_space<vmem>>
    %dma_start3A_147 = arith.constant 384 : i32
    %dma_start3A_148 = arith.constant 0 : i32
    %dma_start3A_149 = tpu.memref_slice %arg2[%add3A, %dma_start3A_147, %dma_start3A_148] : memref<32x512x128xf32, #tpu.memory_space<hbm>> -> memref<1x128x128xf32, #tpu.memory_space<hbm>>
    %dma_start3A_150 = tpu.memref_squeeze %dma_start3A_149 : memref<1x128x128xf32, #tpu.memory_space<hbm>> -> memref<128x128xf32, #tpu.memory_space<hbm>>
    %dma_start3A_151 = arith.constant 0 : i32
    %dma_start3A_152 = arith.constant 0 : i32
    %dma_start3A_153 = tpu.memref_slice %arg7[%dma_start3A_142, %dma_start3A_151, %dma_start3A_152] : memref<2x128x128xf32, #tpu.memory_space<vmem>> -> memref<1x128x128xf32, #tpu.memory_space<vmem>>
    %dma_start3A_154 = tpu.memref_squeeze %dma_start3A_153 : memref<1x128x128xf32, #tpu.memory_space<vmem>> -> memref<128x128xf32, #tpu.memory_space<vmem>>
    %dma_start3A_155 = arith.constant 384 : i32
    %dma_start3A_156 = arith.constant 0 : i32
    %dma_start3A_157 = tpu.memref_slice %arg2[%add3A, %dma_start3A_155, %dma_start3A_156] : memref<32x512x128xf32, #tpu.memory_space<hbm>> -> memref<1x128x128xf32, #tpu.memory_space<hbm>>
    %dma_start3A_158 = tpu.memref_squeeze %dma_start3A_157 : memref<1x128x128xf32, #tpu.memory_space<hbm>> -> memref<128x128xf32, #tpu.memory_space<hbm>>
    tpu.enqueue_dma source(%dma_start3A_158 : memref<128x128xf32, #tpu.memory_space<hbm>>) target(%dma_start3A_154 : memref<128x128xf32, #tpu.memory_space<vmem>>) target_semaphore(%arg11 : memref<!tpu.dma_semaphore, #tpu.memory_space<semaphore_mem>>)
    %dma_start3A_159 = arith.constant 1 : i32
    %dma_start3A_160 = arith.constant 0 : i32
    %dma_start3A_161 = arith.constant 0 : i32
    %dma_start3A_162 = tpu.memref_slice %arg8[%dma_start3A_159, %dma_start3A_160, %dma_start3A_161] : memref<2x128x128xf32, #tpu.memory_space<vmem>> -> memref<1x128x128xf32, #tpu.memory_space<vmem>>
    %dma_start3A_163 = tpu.memref_squeeze %dma_start3A_162 : memref<1x128x128xf32, #tpu.memory_space<vmem>> -> memref<128x128xf32, #tpu.memory_space<vmem>>
    %dma_start3A_164 = arith.constant 384 : i32
    %dma_start3A_165 = tpu.memref_slice %arg6[%dma_start3A_164] : memref<512xi32, #tpu.memory_space<vmem>> -> memref<128xi32, #tpu.memory_space<vmem>>
    %dma_start3A_166 = arith.constant 0 : i32
    %dma_start3A_167 = arith.constant 0 : i32
    %dma_start3A_168 = tpu.memref_slice %arg4[%dma_start3A_166, %dma_start3A_167] : memref<100000x128xf32, #tpu.memory_space<hbm>> -> memref<100000x128xf32, #tpu.memory_space<hbm>>
    tpu.enqueue_indirect_dma source(%dma_start3A_168 : memref<100000x128xf32, #tpu.memory_space<hbm>>) target(%dma_start3A_163 : memref<128x128xf32, #tpu.memory_space<vmem>>) offsets(%dma_start3A_165 : memref<128xi32, #tpu.memory_space<vmem>>) semaphore(%arg13 : memref<!tpu.dma_semaphore, #tpu.memory_space<semaphore_mem>>)
    %dma_wait3A_169 = arith.constant 0 : i32
    %dma_wait3A_170 = arith.constant 0 : i32
    %dma_wait3A_171 = arith.constant 0 : i32
    %dma_wait3A_172 = tpu.memref_slice %arg7[%dma_wait3A_169, %dma_wait3A_170, %dma_wait3A_171] : memref<2x128x128xf32, #tpu.memory_space<vmem>> -> memref<1x128x128xf32, #tpu.memory_space<vmem>>
    %dma_wait3A_173 = tpu.memref_squeeze %dma_wait3A_172 : memref<1x128x128xf32, #tpu.memory_space<vmem>> -> memref<128x128xf32, #tpu.memory_space<vmem>>
    %dma_wait3A_174 = arith.constant 256 : i32
    %dma_wait3A_175 = arith.constant 0 : i32
    %dma_wait3A_176 = tpu.memref_slice %arg2[%add3A, %dma_wait3A_174, %dma_wait3A_175] : memref<32x512x128xf32, #tpu.memory_space<hbm>> -> memref<1x128x128xf32, #tpu.memory_space<hbm>>
    %dma_wait3A_177 = tpu.memref_squeeze %dma_wait3A_176 : memref<1x128x128xf32, #tpu.memory_space<hbm>> -> memref<128x128xf32, #tpu.memory_space<hbm>>
    %dma_wait3A_178 = arith.constant 0 : i32
    %dma_wait3A_179 = arith.constant 0 : i32
    %dma_wait3A_180 = tpu.memref_slice %arg7[%dma_wait3A_169, %dma_wait3A_178, %dma_wait3A_179] : memref<2x128x128xf32, #tpu.memory_space<vmem>> -> memref<1x128x128xf32, #tpu.memory_space<vmem>>
    %dma_wait3A_181 = tpu.memref_squeeze %dma_wait3A_180 : memref<1x128x128xf32, #tpu.memory_space<vmem>> -> memref<128x128xf32, #tpu.memory_space<vmem>>
    %dma_wait3A_182 = arith.constant 256 : i32
    %dma_wait3A_183 = arith.constant 0 : i32
    %dma_wait3A_184 = tpu.memref_slice %arg2[%add3A, %dma_wait3A_182, %dma_wait3A_183] : memref<32x512x128xf32, #tpu.memory_space<hbm>> -> memref<1x128x128xf32, #tpu.memory_space<hbm>>
    %dma_wait3A_185 = tpu.memref_squeeze %dma_wait3A_184 : memref<1x128x128xf32, #tpu.memory_space<hbm>> -> memref<128x128xf32, #tpu.memory_space<hbm>>
    tpu.wait_dma2 semaphore(%arg10 : memref<!tpu.dma_semaphore, #tpu.memory_space<semaphore_mem>>) src(%dma_wait3A_185 : memref<128x128xf32, #tpu.memory_space<hbm>>) dst(%dma_wait3A_181 : memref<128x128xf32, #tpu.memory_space<vmem>>)
    %dma_wait3A_186 = arith.constant 0 : i32
    %dma_wait3A_187 = arith.constant 0 : i32
    %dma_wait3A_188 = arith.constant 0 : i32
    %dma_wait3A_189 = tpu.memref_slice %arg8[%dma_wait3A_186, %dma_wait3A_187, %dma_wait3A_188] : memref<2x128x128xf32, #tpu.memory_space<vmem>> -> memref<1x128x128xf32, #tpu.memory_space<vmem>>
    %dma_wait3A_190 = tpu.memref_squeeze %dma_wait3A_189 : memref<1x128x128xf32, #tpu.memory_space<vmem>> -> memref<128x128xf32, #tpu.memory_space<vmem>>
    %dma_wait3A_191 = arith.constant 256 : i32
    %dma_wait3A_192 = tpu.memref_slice %arg6[%dma_wait3A_191] : memref<512xi32, #tpu.memory_space<vmem>> -> memref<128xi32, #tpu.memory_space<vmem>>
    %dma_wait3A_193 = arith.constant 0 : i32
    %dma_wait3A_194 = arith.constant 0 : i32
    %dma_wait3A_195 = tpu.memref_slice %arg4[%dma_wait3A_193, %dma_wait3A_194] : memref<100000x128xf32, #tpu.memory_space<hbm>> -> memref<100000x128xf32, #tpu.memory_space<hbm>>
    tpu.wait_indirect_dma semaphore(%arg12 : memref<!tpu.dma_semaphore, #tpu.memory_space<semaphore_mem>>) src(%dma_wait3A_195 : memref<100000x128xf32, #tpu.memory_space<hbm>>) dst(%dma_wait3A_190 : memref<128x128xf32, #tpu.memory_space<vmem>>)
    %parallel_loop3A_196 = arith.constant 0 : i32
    %parallel_loop3A_197 = arith.constant 128 : i32
    %parallel_loop3A_198 = arith.constant 1 : i32
    %parallel_loop3A_199 = scf.for %parallel_loop3A_232 = %parallel_loop3A_196 to %parallel_loop3A_197 step %parallel_loop3A_198 iter_args(%parallel_loop3A_233 = %parallel_loop3A_141) -> (vector<16xf32>)  : i32 {
      %parallel_loop3A_234 = arith.constant 0 : i32
      %parallel_loop3A_235 = arith.index_cast %parallel_loop3A_234 : i32 to index
      %parallel_loop3A_236 = arith.index_cast %parallel_loop3A_232 : i32 to index
      %parallel_loop3A_237 = arith.constant 0 : index
      %parallel_loop3A_238 = tpu.vector_load %arg7[%parallel_loop3A_235, %parallel_loop3A_236, %parallel_loop3A_237] {strides = array<i32>} : memref<2x128x128xf32, #tpu.memory_space<vmem>>, vector<16xf32>,
      %parallel_loop3A_239 = arith.constant 0 : i32
      %parallel_loop3A_240 = arith.index_cast %parallel_loop3A_239 : i32 to index
      %parallel_loop3A_241 = arith.index_cast %parallel_loop3A_232 : i32 to index
      %parallel_loop3A_242 = arith.constant 0 : index
      %parallel_loop3A_243 = tpu.vector_load %arg8[%parallel_loop3A_240, %parallel_loop3A_241, %parallel_loop3A_242] {strides = array<i32>} : memref<2x128x128xf32, #tpu.memory_space<vmem>>, vector<16xf32>,
      %parallel_loop3A_244 = arith.subf %parallel_loop3A_238, %parallel_loop3A_243 : vector<16xf32>
      %parallel_loop3A_245 = arith.mulf %parallel_loop3A_244, %parallel_loop3A_244 : vector<16xf32>
      %parallel_loop3A_246 = arith.constant 0 : i32
      %parallel_loop3A_247 = arith.index_cast %parallel_loop3A_246 : i32 to index
      %parallel_loop3A_248 = arith.index_cast %parallel_loop3A_232 : i32 to index
      %parallel_loop3A_249 = arith.constant 16 : index
      %parallel_loop3A_250 = tpu.vector_load %arg7[%parallel_loop3A_247, %parallel_loop3A_248, %parallel_loop3A_249] {strides = array<i32>} : memref<2x128x128xf32, #tpu.memory_space<vmem>>, vector<16xf32>,
      %parallel_loop3A_251 = arith.constant 0 : i32
      %parallel_loop3A_252 = arith.index_cast %parallel_loop3A_251 : i32 to index
      %parallel_loop3A_253 = arith.index_cast %parallel_loop3A_232 : i32 to index
      %parallel_loop3A_254 = arith.constant 16 : index
      %parallel_loop3A_255 = tpu.vector_load %arg8[%parallel_loop3A_252, %parallel_loop3A_253, %parallel_loop3A_254] {strides = array<i32>} : memref<2x128x128xf32, #tpu.memory_space<vmem>>, vector<16xf32>,
      %parallel_loop3A_256 = arith.subf %parallel_loop3A_250, %parallel_loop3A_255 : vector<16xf32>
      %parallel_loop3A_257 = arith.mulf %parallel_loop3A_256, %parallel_loop3A_256 : vector<16xf32>
      %parallel_loop3A_258 = arith.addf %parallel_loop3A_245, %parallel_loop3A_257 : vector<16xf32>
      %parallel_loop3A_259 = arith.constant 0 : i32
      %parallel_loop3A_260 = arith.index_cast %parallel_loop3A_259 : i32 to index
      %parallel_loop3A_261 = arith.index_cast %parallel_loop3A_232 : i32 to index
      %parallel_loop3A_262 = arith.constant 32 : index
      %parallel_loop3A_263 = tpu.vector_load %arg7[%parallel_loop3A_260, %parallel_loop3A_261, %parallel_loop3A_262] {strides = array<i32>} : memref<2x128x128xf32, #tpu.memory_space<vmem>>, vector<16xf32>,
      %parallel_loop3A_264 = arith.constant 0 : i32
      %parallel_loop3A_265 = arith.index_cast %parallel_loop3A_264 : i32 to index
      %parallel_loop3A_266 = arith.index_cast %parallel_loop3A_232 : i32 to index
      %parallel_loop3A_267 = arith.constant 32 : index
      %parallel_loop3A_268 = tpu.vector_load %arg8[%parallel_loop3A_265, %parallel_loop3A_266, %parallel_loop3A_267] {strides = array<i32>} : memref<2x128x128xf32, #tpu.memory_space<vmem>>, vector<16xf32>,
      %parallel_loop3A_269 = arith.subf %parallel_loop3A_263, %parallel_loop3A_268 : vector<16xf32>
      %parallel_loop3A_270 = arith.mulf %parallel_loop3A_269, %parallel_loop3A_269 : vector<16xf32>
      %parallel_loop3A_271 = arith.addf %parallel_loop3A_258, %parallel_loop3A_270 : vector<16xf32>
      %parallel_loop3A_272 = arith.constant 0 : i32
      %parallel_loop3A_273 = arith.index_cast %parallel_loop3A_272 : i32 to index
      %parallel_loop3A_274 = arith.index_cast %parallel_loop3A_232 : i32 to index
      %parallel_loop3A_275 = arith.constant 48 : index
      %parallel_loop3A_276 = tpu.vector_load %arg7[%parallel_loop3A_273, %parallel_loop3A_274, %parallel_loop3A_275] {strides = array<i32>} : memref<2x128x128xf32, #tpu.memory_space<vmem>>, vector<16xf32>,
      %parallel_loop3A_277 = arith.constant 0 : i32
      %parallel_loop3A_278 = arith.index_cast %parallel_loop3A_277 : i32 to index
      %parallel_loop3A_279 = arith.index_cast %parallel_loop3A_232 : i32 to index
      %parallel_loop3A_280 = arith.constant 48 : index
      %parallel_loop3A_281 = tpu.vector_load %arg8[%parallel_loop3A_278, %parallel_loop3A_279, %parallel_loop3A_280] {strides = array<i32>} : memref<2x128x128xf32, #tpu.memory_space<vmem>>, vector<16xf32>,
      %parallel_loop3A_282 = arith.subf %parallel_loop3A_276, %parallel_loop3A_281 : vector<16xf32>
      %parallel_loop3A_283 = arith.mulf %parallel_loop3A_282, %parallel_loop3A_282 : vector<16xf32>
      %parallel_loop3A_284 = arith.addf %parallel_loop3A_271, %parallel_loop3A_283 : vector<16xf32>
      %parallel_loop3A_285 = arith.constant 0 : i32
      %parallel_loop3A_286 = arith.index_cast %parallel_loop3A_285 : i32 to index
      %parallel_loop3A_287 = arith.index_cast %parallel_loop3A_232 : i32 to index
      %parallel_loop3A_288 = arith.constant 64 : index
      %parallel_loop3A_289 = tpu.vector_load %arg7[%parallel_loop3A_286, %parallel_loop3A_287, %parallel_loop3A_288] {strides = array<i32>} : memref<2x128x128xf32, #tpu.memory_space<vmem>>, vector<16xf32>,
      %parallel_loop3A_290 = arith.constant 0 : i32
      %parallel_loop3A_291 = arith.index_cast %parallel_loop3A_290 : i32 to index
      %parallel_loop3A_292 = arith.index_cast %parallel_loop3A_232 : i32 to index
      %parallel_loop3A_293 = arith.constant 64 : index
      %parallel_loop3A_294 = tpu.vector_load %arg8[%parallel_loop3A_291, %parallel_loop3A_292, %parallel_loop3A_293] {strides = array<i32>} : memref<2x128x128xf32, #tpu.memory_space<vmem>>, vector<16xf32>,
      %parallel_loop3A_295 = arith.subf %parallel_loop3A_289, %parallel_loop3A_294 : vector<16xf32>
      %parallel_loop3A_296 = arith.mulf %parallel_loop3A_295, %parallel_loop3A_295 : vector<16xf32>
      %parallel_loop3A_297 = arith.addf %parallel_loop3A_284, %parallel_loop3A_296 : vector<16xf32>
      %parallel_loop3A_298 = arith.constant 0 : i32
      %parallel_loop3A_299 = arith.index_cast %parallel_loop3A_298 : i32 to index
      %parallel_loop3A_300 = arith.index_cast %parallel_loop3A_232 : i32 to index
      %parallel_loop3A_301 = arith.constant 80 : index
      %parallel_loop3A_302 = tpu.vector_load %arg7[%parallel_loop3A_299, %parallel_loop3A_300, %parallel_loop3A_301] {strides = array<i32>} : memref<2x128x128xf32, #tpu.memory_space<vmem>>, vector<16xf32>,
      %parallel_loop3A_303 = arith.constant 0 : i32
      %parallel_loop3A_304 = arith.index_cast %parallel_loop3A_303 : i32 to index
      %parallel_loop3A_305 = arith.index_cast %parallel_loop3A_232 : i32 to index
      %parallel_loop3A_306 = arith.constant 80 : index
      %parallel_loop3A_307 = tpu.vector_load %arg8[%parallel_loop3A_304, %parallel_loop3A_305, %parallel_loop3A_306] {strides = array<i32>} : memref<2x128x128xf32, #tpu.memory_space<vmem>>, vector<16xf32>,
      %parallel_loop3A_308 = arith.subf %parallel_loop3A_302, %parallel_loop3A_307 : vector<16xf32>
      %parallel_loop3A_309 = arith.mulf %parallel_loop3A_308, %parallel_loop3A_308 : vector<16xf32>
      %parallel_loop3A_310 = arith.addf %parallel_loop3A_297, %parallel_loop3A_309 : vector<16xf32>
      %parallel_loop3A_311 = arith.constant 0 : i32
      %parallel_loop3A_312 = arith.index_cast %parallel_loop3A_311 : i32 to index
      %parallel_loop3A_313 = arith.index_cast %parallel_loop3A_232 : i32 to index
      %parallel_loop3A_314 = arith.constant 96 : index
      %parallel_loop3A_315 = tpu.vector_load %arg7[%parallel_loop3A_312, %parallel_loop3A_313, %parallel_loop3A_314] {strides = array<i32>} : memref<2x128x128xf32, #tpu.memory_space<vmem>>, vector<16xf32>,
      %parallel_loop3A_316 = arith.constant 0 : i32
      %parallel_loop3A_317 = arith.index_cast %parallel_loop3A_316 : i32 to index
      %parallel_loop3A_318 = arith.index_cast %parallel_loop3A_232 : i32 to index
      %parallel_loop3A_319 = arith.constant 96 : index
      %parallel_loop3A_320 = tpu.vector_load %arg8[%parallel_loop3A_317, %parallel_loop3A_318, %parallel_loop3A_319] {strides = array<i32>} : memref<2x128x128xf32, #tpu.memory_space<vmem>>, vector<16xf32>,
      %parallel_loop3A_321 = arith.subf %parallel_loop3A_315, %parallel_loop3A_320 : vector<16xf32>
      %parallel_loop3A_322 = arith.mulf %parallel_loop3A_321, %parallel_loop3A_321 : vector<16xf32>
      %parallel_loop3A_323 = arith.addf %parallel_loop3A_310, %parallel_loop3A_322 : vector<16xf32>
      %parallel_loop3A_324 = arith.constant 0 : i32
      %parallel_loop3A_325 = arith.index_cast %parallel_loop3A_324 : i32 to index
      %parallel_loop3A_326 = arith.index_cast %parallel_loop3A_232 : i32 to index
      %parallel_loop3A_327 = arith.constant 112 : index
      %parallel_loop3A_328 = tpu.vector_load %arg7[%parallel_loop3A_325, %parallel_loop3A_326, %parallel_loop3A_327] {strides = array<i32>} : memref<2x128x128xf32, #tpu.memory_space<vmem>>, vector<16xf32>,
      %parallel_loop3A_329 = arith.constant 0 : i32
      %parallel_loop3A_330 = arith.index_cast %parallel_loop3A_329 : i32 to index
      %parallel_loop3A_331 = arith.index_cast %parallel_loop3A_232 : i32 to index
      %parallel_loop3A_332 = arith.constant 112 : index
      %parallel_loop3A_333 = tpu.vector_load %arg8[%parallel_loop3A_330, %parallel_loop3A_331, %parallel_loop3A_332] {strides = array<i32>} : memref<2x128x128xf32, #tpu.memory_space<vmem>>, vector<16xf32>,
      %parallel_loop3A_334 = arith.subf %parallel_loop3A_328, %parallel_loop3A_333 : vector<16xf32>
      %parallel_loop3A_335 = arith.mulf %parallel_loop3A_334, %parallel_loop3A_334 : vector<16xf32>
      %parallel_loop3A_336 = arith.addf %parallel_loop3A_323, %parallel_loop3A_335 : vector<16xf32>
      %parallel_loop3A_337 = arith.constant true
      %parallel_loop3A_338 = vector.broadcast %parallel_loop3A_337 : i1 to vector<16xi1>
      %parallel_loop3A_339 = tpu.scan <sum>, %parallel_loop3A_336 masked %parallel_loop3A_338 : vector<16xf32>, vector<16xi1> -> vector<16xf32>
      %parallel_loop3A_340 = arith.constant 9.99999996E-13 : f32
      %parallel_loop3A_341 = vector.broadcast %parallel_loop3A_340 : f32 to vector<16xf32>
      %parallel_loop3A_342 = arith.maximumf %parallel_loop3A_339, %parallel_loop3A_341 : vector<16xf32>
      %parallel_loop3A_343 = arith.constant 9.99999995E+11 : f32
      %parallel_loop3A_344 = vector.broadcast %parallel_loop3A_343 : f32 to vector<16xf32>
      %parallel_loop3A_345 = arith.minimumf %parallel_loop3A_342, %parallel_loop3A_344 : vector<16xf32>
      %parallel_loop3A_346 = arith.addf %parallel_loop3A_233, %parallel_loop3A_345 : vector<16xf32>
      scf.yield %parallel_loop3A_346 : vector<16xf32>
    } {sc.loop_unroll_factor = 4 : i64, sc.parallel_access}
    %dma_wait3A_200 = arith.constant 1 : i32
    %dma_wait3A_201 = arith.constant 0 : i32
    %dma_wait3A_202 = arith.constant 0 : i32
    %dma_wait3A_203 = tpu.memref_slice %arg7[%dma_wait3A_200, %dma_wait3A_201, %dma_wait3A_202] : memref<2x128x128xf32, #tpu.memory_space<vmem>> -> memref<1x128x128xf32, #tpu.memory_space<vmem>>
    %dma_wait3A_204 = tpu.memref_squeeze %dma_wait3A_203 : memref<1x128x128xf32, #tpu.memory_space<vmem>> -> memref<128x128xf32, #tpu.memory_space<vmem>>
    %dma_wait3A_205 = arith.constant 384 : i32
    %dma_wait3A_206 = arith.constant 0 : i32
    %dma_wait3A_207 = tpu.memref_slice %arg2[%add3A, %dma_wait3A_205, %dma_wait3A_206] : memref<32x512x128xf32, #tpu.memory_space<hbm>> -> memref<1x128x128xf32, #tpu.memory_space<hbm>>
    %dma_wait3A_208 = tpu.memref_squeeze %dma_wait3A_207 : memref<1x128x128xf32, #tpu.memory_space<hbm>> -> memref<128x128xf32, #tpu.memory_space<hbm>>
    %dma_wait3A_209 = arith.constant 0 : i32
    %dma_wait3A_210 = arith.constant 0 : i32
    %dma_wait3A_211 = tpu.memref_slice %arg7[%dma_wait3A_200, %dma_wait3A_209, %dma_wait3A_210] : memref<2x128x128xf32, #tpu.memory_space<vmem>> -> memref<1x128x128xf32, #tpu.memory_space<vmem>>
    %dma_wait3A_212 = tpu.memref_squeeze %dma_wait3A_211 : memref<1x128x128xf32, #tpu.memory_space<vmem>> -> memref<128x128xf32, #tpu.memory_space<vmem>>
    %dma_wait3A_213 = arith.constant 384 : i32
    %dma_wait3A_214 = arith.constant 0 : i32
    %dma_wait3A_215 = tpu.memref_slice %arg2[%add3A, %dma_wait3A_213, %dma_wait3A_214] : memref<32x512x128xf32, #tpu.memory_space<hbm>> -> memref<1x128x128xf32, #tpu.memory_space<hbm>>
    %dma_wait3A_216 = tpu.memref_squeeze %dma_wait3A_215 : memref<1x128x128xf32, #tpu.memory_space<hbm>> -> memref<128x128xf32, #tpu.memory_space<hbm>>
    tpu.wait_dma2 semaphore(%arg11 : memref<!tpu.dma_semaphore, #tpu.memory_space<semaphore_mem>>) src(%dma_wait3A_216 : memref<128x128xf32, #tpu.memory_space<hbm>>) dst(%dma_wait3A_212 : memref<128x128xf32, #tpu.memory_space<vmem>>)
    %dma_wait3A_217 = arith.constant 1 : i32
    %dma_wait3A_218 = arith.constant 0 : i32
    %dma_wait3A_219 = arith.constant 0 : i32
    %dma_wait3A_220 = tpu.memref_slice %arg8[%dma_wait3A_217, %dma_wait3A_218, %dma_wait3A_219] : memref<2x128x128xf32, #tpu.memory_space<vmem>> -> memref<1x128x128xf32, #tpu.memory_space<vmem>>
    %dma_wait3A_221 = tpu.memref_squeeze %dma_wait3A_220 : memref<1x128x128xf32, #tpu.memory_space<vmem>> -> memref<128x128xf32, #tpu.memory_space<vmem>>
    %dma_wait3A_222 = arith.constant 384 : i32
    %dma_wait3A_223 = tpu.memref_slice %arg6[%dma_wait3A_222] : memref<512xi32, #tpu.memory_space<vmem>> -> memref<128xi32, #tpu.memory_space<vmem>>
    %dma_wait3A_224 = arith.constant 0 : i32
    %dma_wait3A_225 = arith.constant 0 : i32
    %dma_wait3A_226 = tpu.memref_slice %arg4[%dma_wait3A_224, %dma_wait3A_225] : memref<100000x128xf32, #tpu.memory_space<hbm>> -> memref<100000x128xf32, #tpu.memory_space<hbm>>
    tpu.wait_indirect_dma semaphore(%arg13 : memref<!tpu.dma_semaphore, #tpu.memory_space<semaphore_mem>>) src(%dma_wait3A_226 : memref<100000x128xf32, #tpu.memory_space<hbm>>) dst(%dma_wait3A_221 : memref<128x128xf32, #tpu.memory_space<vmem>>)
    %parallel_loop3A_227 = arith.constant 0 : i32
    %parallel_loop3A_228 = arith.constant 128 : i32
    %parallel_loop3A_229 = arith.constant 1 : i32
    %parallel_loop3A_230 = scf.for %parallel_loop3A_232 = %parallel_loop3A_227 to %parallel_loop3A_228 step %parallel_loop3A_229 iter_args(%parallel_loop3A_233 = %parallel_loop3A_199) -> (vector<16xf32>)  : i32 {
      %parallel_loop3A_234 = arith.constant 1 : i32
      %parallel_loop3A_235 = arith.index_cast %parallel_loop3A_234 : i32 to index
      %parallel_loop3A_236 = arith.index_cast %parallel_loop3A_232 : i32 to index
      %parallel_loop3A_237 = arith.constant 0 : index
      %parallel_loop3A_238 = tpu.vector_load %arg7[%parallel_loop3A_235, %parallel_loop3A_236, %parallel_loop3A_237] {strides = array<i32>} : memref<2x128x128xf32, #tpu.memory_space<vmem>>, vector<16xf32>,
      %parallel_loop3A_239 = arith.constant 1 : i32
      %parallel_loop3A_240 = arith.index_cast %parallel_loop3A_239 : i32 to index
      %parallel_loop3A_241 = arith.index_cast %parallel_loop3A_232 : i32 to index
      %parallel_loop3A_242 = arith.constant 0 : index
      %parallel_loop3A_243 = tpu.vector_load %arg8[%parallel_loop3A_240, %parallel_loop3A_241, %parallel_loop3A_242] {strides = array<i32>} : memref<2x128x128xf32, #tpu.memory_space<vmem>>, vector<16xf32>,
      %parallel_loop3A_244 = arith.subf %parallel_loop3A_238, %parallel_loop3A_243 : vector<16xf32>
      %parallel_loop3A_245 = arith.mulf %parallel_loop3A_244, %parallel_loop3A_244 : vector<16xf32>
      %parallel_loop3A_246 = arith.constant 1 : i32
      %parallel_loop3A_247 = arith.index_cast %parallel_loop3A_246 : i32 to index
      %parallel_loop3A_248 = arith.index_cast %parallel_loop3A_232 : i32 to index
      %parallel_loop3A_249 = arith.constant 16 : index
      %parallel_loop3A_250 = tpu.vector_load %arg7[%parallel_loop3A_247, %parallel_loop3A_248, %parallel_loop3A_249] {strides = array<i32>} : memref<2x128x128xf32, #tpu.memory_space<vmem>>, vector<16xf32>,
      %parallel_loop3A_251 = arith.constant 1 : i32
      %parallel_loop3A_252 = arith.index_cast %parallel_loop3A_251 : i32 to index
      %parallel_loop3A_253 = arith.index_cast %parallel_loop3A_232 : i32 to index
      %parallel_loop3A_254 = arith.constant 16 : index
      %parallel_loop3A_255 = tpu.vector_load %arg8[%parallel_loop3A_252, %parallel_loop3A_253, %parallel_loop3A_254] {strides = array<i32>} : memref<2x128x128xf32, #tpu.memory_space<vmem>>, vector<16xf32>,
      %parallel_loop3A_256 = arith.subf %parallel_loop3A_250, %parallel_loop3A_255 : vector<16xf32>
      %parallel_loop3A_257 = arith.mulf %parallel_loop3A_256, %parallel_loop3A_256 : vector<16xf32>
      %parallel_loop3A_258 = arith.addf %parallel_loop3A_245, %parallel_loop3A_257 : vector<16xf32>
      %parallel_loop3A_259 = arith.constant 1 : i32
      %parallel_loop3A_260 = arith.index_cast %parallel_loop3A_259 : i32 to index
      %parallel_loop3A_261 = arith.index_cast %parallel_loop3A_232 : i32 to index
      %parallel_loop3A_262 = arith.constant 32 : index
      %parallel_loop3A_263 = tpu.vector_load %arg7[%parallel_loop3A_260, %parallel_loop3A_261, %parallel_loop3A_262] {strides = array<i32>} : memref<2x128x128xf32, #tpu.memory_space<vmem>>, vector<16xf32>,
      %parallel_loop3A_264 = arith.constant 1 : i32
      %parallel_loop3A_265 = arith.index_cast %parallel_loop3A_264 : i32 to index
      %parallel_loop3A_266 = arith.index_cast %parallel_loop3A_232 : i32 to index
      %parallel_loop3A_267 = arith.constant 32 : index
      %parallel_loop3A_268 = tpu.vector_load %arg8[%parallel_loop3A_265, %parallel_loop3A_266, %parallel_loop3A_267] {strides = array<i32>} : memref<2x128x128xf32, #tpu.memory_space<vmem>>, vector<16xf32>,
      %parallel_loop3A_269 = arith.subf %parallel_loop3A_263, %parallel_loop3A_268 : vector<16xf32>
      %parallel_loop3A_270 = arith.mulf %parallel_loop3A_269, %parallel_loop3A_269 : vector<16xf32>
      %parallel_loop3A_271 = arith.addf %parallel_loop3A_258, %parallel_loop3A_270 : vector<16xf32>
      %parallel_loop3A_272 = arith.constant 1 : i32
      %parallel_loop3A_273 = arith.index_cast %parallel_loop3A_272 : i32 to index
      %parallel_loop3A_274 = arith.index_cast %parallel_loop3A_232 : i32 to index
      %parallel_loop3A_275 = arith.constant 48 : index
      %parallel_loop3A_276 = tpu.vector_load %arg7[%parallel_loop3A_273, %parallel_loop3A_274, %parallel_loop3A_275] {strides = array<i32>} : memref<2x128x128xf32, #tpu.memory_space<vmem>>, vector<16xf32>,
      %parallel_loop3A_277 = arith.constant 1 : i32
      %parallel_loop3A_278 = arith.index_cast %parallel_loop3A_277 : i32 to index
      %parallel_loop3A_279 = arith.index_cast %parallel_loop3A_232 : i32 to index
      %parallel_loop3A_280 = arith.constant 48 : index
      %parallel_loop3A_281 = tpu.vector_load %arg8[%parallel_loop3A_278, %parallel_loop3A_279, %parallel_loop3A_280] {strides = array<i32>} : memref<2x128x128xf32, #tpu.memory_space<vmem>>, vector<16xf32>,
      %parallel_loop3A_282 = arith.subf %parallel_loop3A_276, %parallel_loop3A_281 : vector<16xf32>
      %parallel_loop3A_283 = arith.mulf %parallel_loop3A_282, %parallel_loop3A_282 : vector<16xf32>
      %parallel_loop3A_284 = arith.addf %parallel_loop3A_271, %parallel_loop3A_283 : vector<16xf32>
      %parallel_loop3A_285 = arith.constant 1 : i32
      %parallel_loop3A_286 = arith.index_cast %parallel_loop3A_285 : i32 to index
      %parallel_loop3A_287 = arith.index_cast %parallel_loop3A_232 : i32 to index
      %parallel_loop3A_288 = arith.constant 64 : index
      %parallel_loop3A_289 = tpu.vector_load %arg7[%parallel_loop3A_286, %parallel_loop3A_287, %parallel_loop3A_288] {strides = array<i32>} : memref<2x128x128xf32, #tpu.memory_space<vmem>>, vector<16xf32>,
      %parallel_loop3A_290 = arith.constant 1 : i32
      %parallel_loop3A_291 = arith.index_cast %parallel_loop3A_290 : i32 to index
      %parallel_loop3A_292 = arith.index_cast %parallel_loop3A_232 : i32 to index
      %parallel_loop3A_293 = arith.constant 64 : index
      %parallel_loop3A_294 = tpu.vector_load %arg8[%parallel_loop3A_291, %parallel_loop3A_292, %parallel_loop3A_293] {strides = array<i32>} : memref<2x128x128xf32, #tpu.memory_space<vmem>>, vector<16xf32>,
      %parallel_loop3A_295 = arith.subf %parallel_loop3A_289, %parallel_loop3A_294 : vector<16xf32>
      %parallel_loop3A_296 = arith.mulf %parallel_loop3A_295, %parallel_loop3A_295 : vector<16xf32>
      %parallel_loop3A_297 = arith.addf %parallel_loop3A_284, %parallel_loop3A_296 : vector<16xf32>
      %parallel_loop3A_298 = arith.constant 1 : i32
      %parallel_loop3A_299 = arith.index_cast %parallel_loop3A_298 : i32 to index
      %parallel_loop3A_300 = arith.index_cast %parallel_loop3A_232 : i32 to index
      %parallel_loop3A_301 = arith.constant 80 : index
      %parallel_loop3A_302 = tpu.vector_load %arg7[%parallel_loop3A_299, %parallel_loop3A_300, %parallel_loop3A_301] {strides = array<i32>} : memref<2x128x128xf32, #tpu.memory_space<vmem>>, vector<16xf32>,
      %parallel_loop3A_303 = arith.constant 1 : i32
      %parallel_loop3A_304 = arith.index_cast %parallel_loop3A_303 : i32 to index
      %parallel_loop3A_305 = arith.index_cast %parallel_loop3A_232 : i32 to index
      %parallel_loop3A_306 = arith.constant 80 : index
      %parallel_loop3A_307 = tpu.vector_load %arg8[%parallel_loop3A_304, %parallel_loop3A_305, %parallel_loop3A_306] {strides = array<i32>} : memref<2x128x128xf32, #tpu.memory_space<vmem>>, vector<16xf32>,
      %parallel_loop3A_308 = arith.subf %parallel_loop3A_302, %parallel_loop3A_307 : vector<16xf32>
      %parallel_loop3A_309 = arith.mulf %parallel_loop3A_308, %parallel_loop3A_308 : vector<16xf32>
      %parallel_loop3A_310 = arith.addf %parallel_loop3A_297, %parallel_loop3A_309 : vector<16xf32>
      %parallel_loop3A_311 = arith.constant 1 : i32
      %parallel_loop3A_312 = arith.index_cast %parallel_loop3A_311 : i32 to index
      %parallel_loop3A_313 = arith.index_cast %parallel_loop3A_232 : i32 to index
      %parallel_loop3A_314 = arith.constant 96 : index
      %parallel_loop3A_315 = tpu.vector_load %arg7[%parallel_loop3A_312, %parallel_loop3A_313, %parallel_loop3A_314] {strides = array<i32>} : memref<2x128x128xf32, #tpu.memory_space<vmem>>, vector<16xf32>,
      %parallel_loop3A_316 = arith.constant 1 : i32
      %parallel_loop3A_317 = arith.index_cast %parallel_loop3A_316 : i32 to index
      %parallel_loop3A_318 = arith.index_cast %parallel_loop3A_232 : i32 to index
      %parallel_loop3A_319 = arith.constant 96 : index
      %parallel_loop3A_320 = tpu.vector_load %arg8[%parallel_loop3A_317, %parallel_loop3A_318, %parallel_loop3A_319] {strides = array<i32>} : memref<2x128x128xf32, #tpu.memory_space<vmem>>, vector<16xf32>,
      %parallel_loop3A_321 = arith.subf %parallel_loop3A_315, %parallel_loop3A_320 : vector<16xf32>
      %parallel_loop3A_322 = arith.mulf %parallel_loop3A_321, %parallel_loop3A_321 : vector<16xf32>
      %parallel_loop3A_323 = arith.addf %parallel_loop3A_310, %parallel_loop3A_322 : vector<16xf32>
      %parallel_loop3A_324 = arith.constant 1 : i32
      %parallel_loop3A_325 = arith.index_cast %parallel_loop3A_324 : i32 to index
      %parallel_loop3A_326 = arith.index_cast %parallel_loop3A_232 : i32 to index
      %parallel_loop3A_327 = arith.constant 112 : index
      %parallel_loop3A_328 = tpu.vector_load %arg7[%parallel_loop3A_325, %parallel_loop3A_326, %parallel_loop3A_327] {strides = array<i32>} : memref<2x128x128xf32, #tpu.memory_space<vmem>>, vector<16xf32>,
      %parallel_loop3A_329 = arith.constant 1 : i32
      %parallel_loop3A_330 = arith.index_cast %parallel_loop3A_329 : i32 to index
      %parallel_loop3A_331 = arith.index_cast %parallel_loop3A_232 : i32 to index
      %parallel_loop3A_332 = arith.constant 112 : index
      %parallel_loop3A_333 = tpu.vector_load %arg8[%parallel_loop3A_330, %parallel_loop3A_331, %parallel_loop3A_332] {strides = array<i32>} : memref<2x128x128xf32, #tpu.memory_space<vmem>>, vector<16xf32>,
      %parallel_loop3A_334 = arith.subf %parallel_loop3A_328, %parallel_loop3A_333 : vector<16xf32>
      %parallel_loop3A_335 = arith.mulf %parallel_loop3A_334, %parallel_loop3A_334 : vector<16xf32>
      %parallel_loop3A_336 = arith.addf %parallel_loop3A_323, %parallel_loop3A_335 : vector<16xf32>
      %parallel_loop3A_337 = arith.constant true
      %parallel_loop3A_338 = vector.broadcast %parallel_loop3A_337 : i1 to vector<16xi1>
      %parallel_loop3A_339 = tpu.scan <sum>, %parallel_loop3A_336 masked %parallel_loop3A_338 : vector<16xf32>, vector<16xi1> -> vector<16xf32>
      %parallel_loop3A_340 = arith.constant 9.99999996E-13 : f32
      %parallel_loop3A_341 = vector.broadcast %parallel_loop3A_340 : f32 to vector<16xf32>
      %parallel_loop3A_342 = arith.maximumf %parallel_loop3A_339, %parallel_loop3A_341 : vector<16xf32>
      %parallel_loop3A_343 = arith.constant 9.99999995E+11 : f32
      %parallel_loop3A_344 = vector.broadcast %parallel_loop3A_343 : f32 to vector<16xf32>
      %parallel_loop3A_345 = arith.minimumf %parallel_loop3A_342, %parallel_loop3A_344 : vector<16xf32>
      %parallel_loop3A_346 = arith.addf %parallel_loop3A_233, %parallel_loop3A_345 : vector<16xf32>
      scf.yield %parallel_loop3A_346 : vector<16xf32>
    } {sc.loop_unroll_factor = 4 : i64, sc.parallel_access}
    %swap3A = arith.constant 0 : index
    %swap3A_231 = tpu.vector_load %arg9[%swap3A] {strides = array<i32>} : memref<16xf32, #tpu.memory_space<vmem>>, vector<16xf32>,
    tpu.vector_store %arg9[%swap3A], %parallel_loop3A_230 {strides = array<i32>} : memref<16xf32, #tpu.memory_space<vmem>>, vector<16xf32>,
    "tpu.region"() ({
      %run_scoped3A = tpu.sem_alloc : memref<!tpu.dma_semaphore, #tpu.memory_space<semaphore_mem>>
      %dma_start3A_232 = arith.constant 0 : i32
      %dma_start3A_233 = tpu.memref_slice %arg5[%add3A, %dma_start3A_232] : memref<32x16xf32, #tpu.memory_space<hbm>> -> memref<1x16xf32, #tpu.memory_space<hbm>>
      %dma_start3A_234 = tpu.memref_squeeze %dma_start3A_233 : memref<1x16xf32, #tpu.memory_space<hbm>> -> memref<16xf32, #tpu.memory_space<hbm>>
      %dma_start3A_235 = arith.constant 0 : i32
      %dma_start3A_236 = tpu.memref_slice %arg5[%add3A, %dma_start3A_235] : memref<32x16xf32, #tpu.memory_space<hbm>> -> memref<1x16xf32, #tpu.memory_space<hbm>>
      %dma_start3A_237 = tpu.memref_squeeze %dma_start3A_236 : memref<1x16xf32, #tpu.memory_space<hbm>> -> memref<16xf32, #tpu.memory_space<hbm>>
      tpu.enqueue_dma source(%arg9 : memref<16xf32, #tpu.memory_space<vmem>>) target(%dma_start3A_237 : memref<16xf32, #tpu.memory_space<hbm>>) target_semaphore(%run_scoped3A : memref<!tpu.dma_semaphore, #tpu.memory_space<semaphore_mem>>)
      %dma_wait3A_238 = arith.constant 0 : i32
      %dma_wait3A_239 = tpu.memref_slice %arg5[%add3A, %dma_wait3A_238] : memref<32x16xf32, #tpu.memory_space<hbm>> -> memref<1x16xf32, #tpu.memory_space<hbm>>
      %dma_wait3A_240 = tpu.memref_squeeze %dma_wait3A_239 : memref<1x16xf32, #tpu.memory_space<hbm>> -> memref<16xf32, #tpu.memory_space<hbm>>
      %dma_wait3A_241 = arith.constant 0 : i32
      %dma_wait3A_242 = tpu.memref_slice %arg5[%add3A, %dma_wait3A_241] : memref<32x16xf32, #tpu.memory_space<hbm>> -> memref<1x16xf32, #tpu.memory_space<hbm>>
      %dma_wait3A_243 = tpu.memref_squeeze %dma_wait3A_242 : memref<1x16xf32, #tpu.memory_space<hbm>> -> memref<16xf32, #tpu.memory_space<hbm>>
      tpu.wait_dma2 semaphore(%run_scoped3A : memref<!tpu.dma_semaphore, #tpu.memory_space<semaphore_mem>>) src(%arg9 : memref<16xf32, #tpu.memory_space<vmem>>) dst(%dma_wait3A_243 : memref<16xf32, #tpu.memory_space<hbm>>)
      tpu.yield
    }) : () -> ()
    return
  }
}

</mosaic_0001>

<sc_bundles>
// kernel: kernel.3.cloned.1.call-start
scs
__scs_entry_jumppad:
0x0: {  	(pc) =	sbr.rel $0x88, $3  }
0x1: {  	(tag) =	ssettag $0x0;
	lr =	simm.s32 $0x1  }
0x2: {  	[smem:$0x3F9E] =	sst lr;
	_ =	strace $0xD0000000  }
0x3: {  	_ = 	snop  }
0x4: {  	_ = 	snop  }
0x5: {  	_ = 	snop  }
0x6: {  	_ = 	snop  }
0x7: {  	_ = 	snop  }
__scs_overlays_trampoline_lowered:
0x8: {  	[smem:$0x3FAD] =	sst s0  }
0x9: {  	[smem:$0x3FAE] =	sst s1  }
0xa: {  	[smem:$0x3FAF] =	sst s2  }
0xb: {  	[smem:$0x3FB0] =	sst s3  }
0xc: {  	[smem:$0x3FB1] =	sst s4  }
0xd: {  	[smem:$0x3FB2] =	sst s5  }
0xe: {  	[smem:$0x3FB3] =	sst s6  }
0xf: {  	[smem:$0x3FB4] =	sst s7  }
0x10: {  	[smem:$0x3FB5] =	sst s8  }
0x11: {  	[smem:$0x3FB6] =	sst s9;
	s0 =	simm.s32 @!p0 $0x0  }
0x12: {  	s1 =	sld [smem:$0x3F9C];
	s0 =	simm.s32 @p0 $0x1  }
0x13: {  	[smem:$0x3FB7] =	sst s0;
	s0 =	simm.s32 @!p1 $0x0  }
0x14: {  	s2 =	sld [smem:$0x3F9B];
	s0 =	simm.s32 @p1 $0x1  }
0x15: {  	[smem:$0x3FB8] =	sst s0;
	s0 =	simm.s32 @!p2 $0x0  }
0x16: {  	s3 =	sld [smem:$0x3FDB];
	s0 =	simm.s32 @p2 $0x1  }
0x17: {  	s4 =	simm.s32 $0x1BF5;
	[smem:$0x3FBA] =	sst s0  }
0x18: {  	s0 =	sld [smem:$0x3F9D];
	_ =	swait.ge [sflag:s4], $0x0  }
0x19: {  	s7 =	sld [smem:$0x3F9E]  }
0x1a: {  	s8 =	sadd.s32 $0xFFFFE003, lr  }
0x1b: {  	s9 =	sadd.s32 $0xFFFFFEF7, lr;
	s5 =	simm.s32 $0xFFFFFFFF;
	p2 =	slt.u32 s8, $0xFFFFF086  }
0x1c: {  	p1 =	slt.u32 s9, $0xF7A;
	s5 =	simm.s32 @!p2 $0x0  }
0x1d: {  	s5 =	simm.s32 @p1 $0x1;
	p0 =	seq.s32 s7, s2  }
0x1e: {  	s7 =	smul.u32 @!p0 $0xF7A, s2;
	p2 =	seq.s32 @!p0 s5, $0x0  }
0x1f: {  	s9 =	smul.u32 $0xF7A, s1;
	s8 =	simm.s32 @!p0 $0x1BF5;
	p2 =	por !p2, p0  }
0x20: {  	[sflag:s8] =	ssyncset.s32 @!p0 $0xFFFFF086;
	s6 =	sadd.s32 @!p0 s3, s7;
	s7 =	simm.s32 @!p0 $0x108  }
0x21: {  	s3 =	sadd.s32 s3, s9;
	s6 =	sadd.s32 @!p0 $0x88, s6;
	s7 =	simm.s32 @p2 $0x1082  }
0x22: {  	[simem:s7], [sflag:s8] =	dma.local @!p0 [hbm:s6], $0xF7A  }
0x23: {  	s9 =	sor.u32 $0xD0000000, s2;
	s6 =	simm.s32 $0x108;
	_ =	swait.ge @!p0 [sflag:s8], $0x0  }
0x24: {  	s3 =	sadd.s32 $0x88, s3;
	s6 =	simm.s32 @!p1 $0x1082;
	[sflag:s4] =	ssyncset.s32 $0xFFFFF086  }
0x25: {  	[simem:s6], [sflag:s4] =	dma.local [hbm:s3], $0xF7A  }
0x26: {  	[smem:$0x3F9E] =	sst s1;
	(tag) =	ssettag s2;
	_ =	strace s9  }
0x27: {  	s1 =	sld [smem:$0x3FAE]  }
0x28: {  	s2 =	sld [smem:$0x3FAF]  }
0x29: {  	s4 =	sld [smem:$0x3FB1]  }
0x2a: {  	p0 =	seq.s32 s5, $0x0;
	s5 =	sld [smem:$0x3FB2]  }
0x2b: {  	s6 =	sld [smem:$0x3FB3]  }
0x2c: {  	s7 =	sld [smem:$0x3FB4]  }
0x2d: {  	s3 =	simm.s32 $0x108;
	s8 =	sld [smem:$0x3FB5]  }
0x2e: {  	s3 =	simm.s32 @!p0 $0x1082;
	s9 =	sld [smem:$0x3FB6]  }
0x2f: {  	lr =	sadd.s32 s0, s3;
	s0 =	sld [smem:$0x3FAD]  }
0x30: {  	s3 =	sld [smem:$0x3FB0]  }
0x31: {  	[smem:$0x3FB9] =	sst s10  }
0x32: {  	s10 =	sld [smem:$0x3FB7];
	_ =	sdelay $0x3  }
0x33: {  	p0 =	seq.s32 s10, $0x1;
	s10 =	sld [smem:$0x3FB9];
	_ =	sdelay $0x3  }
0x34: {  	[smem:$0x3FB9] =	sst s10  }
0x35: {  	s10 =	sld [smem:$0x3FB8];
	_ =	sdelay $0x3  }
0x36: {  	p1 =	seq.s32 s10, $0x1;
	s10 =	sld [smem:$0x3FB9];
	_ =	sdelay $0x3  }
0x37: {  	[smem:$0x3FB9] =	sst s10  }
0x38: {  	s10 =	sld [smem:$0x3FBA]  }
0x39: {  	_ = 	snop;
	(pc) =	sbr.ind lr, $3  }
0x3a: {  	_ = 	snop  }
0x3b: {  	_ = 	snop  }
0x3c: {  	p2 =	seq.s32 s10, $0x1;
	s10 =	sld [smem:$0x3FB9]  }
0x3d: {  	_ =	shalt  }
0x3e: {  	_ =	shalt  }
0x3f: {  	_ =	shalt  }
0x40: {  	_ =	shalt  }
0x41: {  	_ =	shalt  }
0x42: {  	_ =	shalt  }
0x43: {  	_ =	shalt  }
0x44: {  	_ =	shalt  }
0x45: {  	_ =	shalt  }
0x46: {  	_ =	shalt  }
0x47: {  	_ =	shalt  }
0x48: {  	_ =	shalt  }
0x49: {  	_ =	shalt  }
0x4a: {  	_ =	shalt  }
0x4b: {  	_ =	shalt  }
0x4c: {  	_ =	shalt  }
0x4d: {  	_ =	shalt  }
0x4e: {  	_ =	shalt  }
0x4f: {  	_ =	shalt  }
0x50: {  	_ =	shalt  }
0x51: {  	_ =	shalt  }
0x52: {  	_ =	shalt  }
0x53: {  	_ =	shalt  }
0x54: {  	_ =	shalt  }
0x55: {  	_ =	shalt  }
0x56: {  	_ =	shalt  }
0x57: {  	_ =	shalt  }
0x58: {  	_ =	shalt  }
0x59: {  	_ =	shalt  }
0x5a: {  	_ =	shalt  }
0x5b: {  	_ =	shalt  }
0x5c: {  	_ =	shalt  }
0x5d: {  	_ =	shalt  }
0x5e: {  	_ =	shalt  }
0x5f: {  	_ =	shalt  }
0x60: {  	_ =	shalt  }
0x61: {  	_ =	shalt  }
0x62: {  	_ =	shalt  }
0x63: {  	_ =	shalt  }
0x64: {  	_ =	shalt  }
0x65: {  	_ =	shalt  }
0x66: {  	_ =	shalt  }
0x67: {  	_ =	shalt  }
0x68: {  	_ =	shalt  }
0x69: {  	_ =	shalt  }
0x6a: {  	_ =	shalt  }
0x6b: {  	_ =	shalt  }
0x6c: {  	_ =	shalt  }
0x6d: {  	_ =	shalt  }
0x6e: {  	_ =	shalt  }
0x6f: {  	_ =	shalt  }
0x70: {  	_ =	shalt  }
0x71: {  	_ =	shalt  }
0x72: {  	_ =	shalt  }
0x73: {  	_ =	shalt  }
0x74: {  	_ =	shalt  }
0x75: {  	_ =	shalt  }
0x76: {  	_ =	shalt  }
0x77: {  	_ =	shalt  }
0x78: {  	_ =	shalt  }
0x79: {  	_ =	shalt  }
0x7a: {  	_ =	shalt  }
0x7b: {  	_ =	shalt  }
0x7c: {  	_ =	shalt  }
0x7d: {  	_ =	shalt  }
0x7e: {  	_ =	shalt  }
0x7f: {  	_ =	shalt  }
0x80: {  	_ =	shalt  }
0x81: {  	_ =	shalt  }
0x82: {  	_ =	shalt  }
0x83: {  	_ =	shalt  }
0x84: {  	_ =	shalt  }
0x85: {  	_ =	shalt  }
0x86: {  	_ =	shalt  }
0x87: {  	_ =	shalt  }
.Lfunc_end0:
.L_simem_size_0:
called_computation_lowered:
.L_overlay_start_0:
0x88: {  	s2 =	sld [smem:$0x3FD9]  }
0x89: {  	s3 =	sld [smem:$0x3FFE];
	_ =	sdelay $0x1  }
0x8a: {  	s1 =	srdreg.scid  }
0x8b: {  	s0 =	sand.u32 $0x1, s1  }
0x8c: {  	s17 =	sshll.u32 s0, $0xA;
	s2 =	sadd.s32 s3, s2  }
0x8d: {  	s2 =	sadd.s32 s2, s17  }
0x8e: {  	[smem:$0x3FC5] =	sst s2  }
0x8f: {  	_ = 	snop  }
0x90: {  	s2 =	sld [smem:$0x3FC9]  }
0x91: {  	s18 =	sld [smem:$0x3FC7];
	(tm) =	ssettm $0x1  }
0x92: {  	s4 =	sld [smem:$0x3FFB];
	_ =	sdelay $0x3  }
0x93: {  	_ =	strace s4  }
0x94: {  	s4 =	sld [smem:$0x3FFC];
	_ =	sdelay $0x3  }
0x95: {  	_ =	strace s4  }
0x96: {  	s4 =	sld [smem:$0x3FFD];
	_ =	sdelay $0x3  }
0x97: {  	_ =	strace s4  }
0x98: {  	_ =	strace $0x8FFFFFFF  }
0x99: {  	s19 =	sld [smem:$0x3FDB];
	_ =	sdelay $0x1  }
0x9a: {  	s5 =	simm.s32 $_scs_section_size  }
0x9b: {  	s6 =	simm.s32 $_size__tile_overlayer_lowered;
	s7 =	simm.s32 $_tile_overlayer_lowered  }
0x9c: {  	s22 =	simm.s32 $0x1BFF;
	s21 =	sshll.u32 s7, $0x1;
	s4 =	sadd.s32 s5, s19  }
0x9d: {  	s8 =	simm.s32 $0x0;
	s20 =	sshll.u32 s6, $0x1;
	s6 =	sadd.s32 s21, s4  }
0x9e: {  	[timem:s8], [sflag:s22] =	dma.local [hbm:s6], s20  }
0x9f: {  	_ =	swait.ge [sflag:s22], s20  }
0xa0: {  	s5 =	ssub.s32 $0x0, s20;
	[sflag:s22] =	ssyncset.done $0x0  }
0xa1: {  	[sflag:s22] =	ssyncadd.s32 s5;
	_ =	sdelay $0x1  }
0xa2: {  	s23 =	simm.s32 $0x1B8B  }
0xa3: {  	_ =	swait.ge [sflag:s23], $0x1  }
0xa4: {  	[sflag:s23] =	ssyncset.done $0x0  }
0xa5: {  	s25 =	simm.s32 $0x1B8E;
	s24 =	sld [smem:$0x3FFE];
	[sflag:s23] =	ssyncadd.s32 $0xFFFFFFFF  }
0xa6: {  	s26 =	simm.s32 $execute0_lowered;
	[smem:$0x3FD2] =	sst s25  }
0xa7: {  	s6 =	sshll.u32 s26, $0x1;
	_ =	strace $0x80000046;
	[dreg:$0x1] =	wrdreg $0xFFFFFFFF  }
0xa8: {  	s28 =	simm.s32 $_size_execute0_lowered;
	s4 =	sadd.s32 s4, s6;
	[dreg:$0x0] =	wrdreg $0x0  }
0xa9: {  	s6 =	sshll.u32 s28, $0x1;
	[dreg:$0x2] =	wrdreg s4  }
0xaa: {  	[dreg:$0x3] =	wrdreg s6  }
0xab: {  	[dreg:$0x4] =	wrdreg $0xC0  }
0xac: {  	_ =	task [dreg:s8], $0x5FFFF  }
0xad: {  	[dreg:$0x1] =	wrdreg $0xFFFFFFFF  }
0xae: {  	[dreg:$0x0] =	wrdreg $0x60  }
0xaf: {  	[dreg:$0x2] =	wrdreg s2  }
0xb0: {  	[dreg:$0x3] =	wrdreg s24  }
0xb1: {  	[dreg:$0x4] =	wrdreg s18  }
0xb2: {  	[dreg:$0x5] =	wrdreg $0x9  }
0xb3: {  	_ =	task.clear_ibuf [dreg:s8], $0x6FFFF;
	_ =	strace $0x90000046  }
0xb4: {  	s29 =	simm.s32 $0x9;
	_ =	strace $0x80000048  }
0xb5: {  	_ =	swait.ge [sflag:s29], $0x1  }
0xb6: {  	[sflag:s29] =	ssyncadd.s32 $0xFFFFFFFF  }
0xb7: {  	_ =	strace $0x90000048  }
0xb8: {  	_ =	sfence  }
0xb9: {  	s30 =	sld [smem:$0x0];
	_ =	sdelay $0x2  }
0xba: {  	s31 =	sshll.u32 s1, $0xD;
	s1 =	sshrl.u32 s1, $0x2  }
0xbb: {  	s3 =	sand.u32 $0x4000, s31;
	s1 =	sadd.s32 s1, s30  }
0xbc: {  	s0 =	sor.u32 s3, s0;
	s1 =	sshll.u32 s1, $0x11  }
0xbd: {  	s0 =	sor.u32 s1, s0  }
0xbe: {  	s0 =	sadd.s32 $0x8F2B, s0  }
0xbf: {  	[sflag:s0] =	ssyncadd.remote.s32 $0x1  }
0xc0: {  	_ =	sfence.sel $0xFFFF  }
0xc1: {  	[dreg:$0x0] =	wrdreg $0xFFFFFFFF;
	(pc) =	sbr.abs _section_cstart, $3  }
0xc2: {  	[dreg:$0x1] =	wrdreg $0xFFFFFFFF  }
0xc3: {  	_ =	task.clear_ibuf [dreg:s8], $0x2FFFF;
	_ =	strace $0x9FFFFFFF  }
0xc4: {  	(tm) =	ssettm $0x7FFFFFFF  }
0xc5: {  	_ =	shalt  }
tec
execute0_lowered:
.L_overlay_start_1:
0x0: {  	(tag) =	ssettag $0x1  }
0x1: {  	s4 =	rddreg [dreg:$0x0]  }
0x2: {  	s1 =	srdreg.scid;
	s5 =	rddreg [dreg:$0x1]  }
0x3: {  	s0 =	stileid.u32;
	s2 =	rddreg [dreg:$0x2];
	s3 =	simm.s32 $0x0  }
0x4: {  	s12 =	simm.s32 $0x80;
	s13 =	simm.s32 $0x400;
	s14 =	simm.s32 $0x5  }
0x5: {  	s15 =	simm.s32 $0x8200;
	s16 =	simm.s32 $0x4200;
	s17 =	simm.s32 $0xC200  }
0x6: {  	s18 =	simm.s32 $0x1;
	s19 =	simm.s32 $0x3;
	s20 =	simm.s32 $0x100  }
0x7: {  	s21 =	simm.s32 $0x2;
	s22 =	simm.s32 $0x4;
	s23 =	simm.s32 $0x180  }
0x8: {  	s24 =	simm.s32 $0x10200;
	s25 =	simm.s32 $0x0;
	s6 =	sand.u32 $0x1, s1  }
0x9: {  	s30 =	sshll.u32 s0, $0x1;
	s1 =	rddreg [dreg:$0x3];
	s8 =	sshrl.u32 s0, $0x2  }
0xa: {  	[smem:$0x7FF] =	sst s3;
	s7 =	sor.u32 s6, s30;
	s10 =	sshll.u32 s8, $0xA  }
0xb: {  	_ =	strace $0x80000047;
	s6 =	ssub.s32 $0x2, s6;
	s8 =	sshll.u32 s8, $0xC  }
0xc: {  	s9 =	sshll.u32 s7, $0x7;
	s11 =	sshrl.u32 s6, $0x1;
	s7 =	sshll.u32 s7, $0xD  }
0xd: {  	s9 =	sand.u32 $0x380, s9;
	s11 =	ssub.s32 s6, s11;
	s4 =	sadd.s32 s4, s7  }
0xe: {  	s10 =	sor.u32 s10, s9;
	s8 =	sor.u32 s8, s9;
	s6 =	sadd.s32 $0x800, s4  }
0xf: {  	s7 =	sadd.s32 $0x1000, s4;
	s10 =	sshrl.u32 s10, $0x3;
	s31 =	sshrl.u32 s8, $0x3  }
0x10: {  	s8 =	sadd.s32 $0x1800, s4;
	s10 =	sadd.s32 s10, s5;
	s5 =	sadd.s32 s5, s31  }
0x11: {  	s9 =	sadd.s32 $0x800, s10;
	s10 =	smax.u32 s11, $0x1;
	s11 =	simm.s32 $0x200  }
.LBB2_1:
0x12: {  	[tilespmem:s11], [sflag:$0x1] =	stream.linear.gather [hbm4b:s4+s3], $0x4000, $0x38;
	[tilespmem:$0x10280] =	vst v63  }
0x13: {  	_ = 	snop  }
0x14: {  	[tilespmem:s3], [sflag:$0x5] =	stream.strided.gather [hbm4b:s5+s12], $0x200, s13, s12, $0x38;
	[tilespmem:$0x10280] =	vst v63  }
0x15: {  	_ =	swait.ge [sflag:s14], $0x200  }
0x16: {  	[sflag:s14] =	ssyncset.done $0x0  }
0x17: {  	[sflag:s14] =	ssyncadd.s32 $0xFFFFFE00  }
0x18: {  	[tilespmem:s15], [sflag:$0x3] =	stream.indirect.gather [hbm4b:s2+s12], $0x80, s3, s12, $0xb8;
	[tilespmem:$0x10280] =	vst v63  }
0x19: {  	_ = 	snop  }
0x1a: {  	[tilespmem:s16], [sflag:$0x2] =	stream.linear.gather [hbm4b:s6+s3], $0x4000, $0x38;
	[tilespmem:$0x10280] =	vst v63  }
0x1b: {  	_ = 	snop  }
0x1c: {  	[tilespmem:s17], [sflag:$0x4] =	stream.indirect.gather [hbm4b:s2+s12], $0x80, s12, s12, $0xb8;
	[tilespmem:$0x10280] =	vst v63  }
0x1d: {  	_ =	swait.ge [sflag:s18], $0x4000  }
0x1e: {  	[sflag:s18] =	ssyncset.done $0x0  }
0x1f: {  	[sflag:s18] =	ssyncadd.s32 $0xFFFFC000  }
0x20: {  	_ =	swait.ge [sflag:s19], $0x4000  }
0x21: {  	[sflag:s19] =	ssyncset.done $0x0  }
0x22: {  	s26 =	simm.s32 $0x300;
	[sflag:s19] =	ssyncadd.s32 $0xFFFFC000  }
0x23: {  	s28 =	simm.s32 $0x8300;
	v0 =	vld [tilespmem:s26+$0xF0]  }
0x24: {  	v1 =	vld [tilespmem:s28+$0xF0]  }
0x25: {  	v3 =	vld [tilespmem:s26+$0xE0]  }
0x26: {  	v4 =	vld [tilespmem:s28+$0xE0]  }
0x27: {  	v2 =	vld [tilespmem:s26+$0xFFFFFFF0]  }
0x28: {  	v5 =	vld [tilespmem:s28+$0xFFFFFFF0]  }
0x29: {  	v6 =	vld [tilespmem:s26+$0xD0]  }
0x2a: {  	v8 =	vld [tilespmem:s28+$0xD0]  }
0x2b: {  	v9 =	vld [tilespmem:s26+$0xFFFFFF70]  }
0x2c: {  	v10 =	vld [tilespmem:s28+$0xFFFFFF70]  }
0x2d: {  	v11 =	vld [tilespmem:s26+$0xFFFFFFE0]  }
0x2e: {  	v12 =	vld [tilespmem:s28+$0xFFFFFFE0]  }
0x2f: {  	v14 =	vld [tilespmem:s26+$0x50]  }
0x30: {  	v15 =	vld [tilespmem:s28+$0x50]  }
0x31: {  	v16 =	vld [tilespmem:s26+$0xC0]  }
0x32: {  	v17 =	vld [tilespmem:s28+$0xC0]  }
0x33: {  	v18 =	vld [tilespmem:s26+$0xFFFFFF60]  }
0x34: {  	v20 =	vld [tilespmem:s28+$0xFFFFFF60]  }
0x35: {  	v21 =	vld [tilespmem:s26+$0xFFFFFFD0]  }
0x36: {  	v22 =	vld [tilespmem:s28+$0xFFFFFFD0]  }
0x37: {  	v23 =	vld [tilespmem:s26+$0x40]  }
0x38: {  	v24 =	vld [tilespmem:s28+$0x40]  }
0x39: {  	v25 =	vld [tilespmem:s26+$0xB0]  }
0x3a: {  	v26 =	vld [tilespmem:s28+$0xB0]  }
0x3b: {  	v27 =	vld [tilespmem:s26+$0xFFFFFF50]  }
0x3c: {  	v28 =	vld [tilespmem:s28+$0xFFFFFF50]  }
0x3d: {  	v29 =	vld [tilespmem:s26+$0xFFFFFFC0]  }
0x3e: {  	v30 =	vld [tilespmem:s28+$0xFFFFFFC0]  }
0x3f: {  	v31 =	vld [tilespmem:s26+$0x30]  }
0x40: {  	v32 =	vld [tilespmem:s28+$0x30]  }
0x41: {  	v33 =	vld [tilespmem:s26+$0xA0]  }
0x42: {  	v34 =	vld [tilespmem:s28+$0xA0]  }
0x43: {  	v35 =	vld [tilespmem:s26+$0xFFFFFF40]  }
0x44: {  	v36 =	vld [tilespmem:s28+$0xFFFFFF40]  }
0x45: {  	v37 =	vld [tilespmem:s26+$0xFFFFFFB0]  }
0x46: {  	v38 =	vld [tilespmem:s28+$0xFFFFFFB0]  }
0x47: {  	v39 =	vld [tilespmem:s26+$0x20]  }
0x48: {  	v40 =	vld [tilespmem:s28+$0x20]  }
0x49: {  	v41 =	vld [tilespmem:s26+$0x80]  }
0x4a: {  	v42 =	vld [tilespmem:s28+$0x80]  }
0x4b: {  	v43 =	vld [tilespmem:s26+$0x90]  }
0x4c: {  	v44 =	vld [tilespmem:s28+$0x90]  }
0x4d: {  	v45 =	vld [tilespmem:s26+$0xFFFFFF30]  }
0x4e: {  	v46 =	vld [tilespmem:s28+$0xFFFFFF30]  }
0x4f: {  	v47 =	vld [tilespmem:s26+$0xFFFFFFA0]  }
0x50: {  	v48 =	vld [tilespmem:s28+$0xFFFFFFA0]  }
0x51: {  	v49 =	vld [tilespmem:s26+$0x0]  }
0x52: {  	v51 =	vld [tilespmem:s28+$0x0];
	v50 =	vsub.f32 v0, v1  }
0x53: {  	v52 =	vld [tilespmem:s26+$0x10];
	v2 =	vsub.f32 v2, v5;
	v7 =	vsub.f32 v3, v4  }
0x54: {  	v53 =	vld [tilespmem:s28+$0xFFFFFF20];
	v1 =	vsub.f32 v9, v10;
	v19 =	vsub.f32 v6, v8  }
0x55: {  	v54 =	vld [tilespmem:s26+$0xFFFFFF80];
	v13 =	vsub.f32 v11, v12;
	v3 =	vsub.f32 v14, v15  }
0x56: {  	v61 =	vld [tilespmem:s28+$0xFFFFFF90];
	v4 =	vsub.f32 v18, v20;
	v10 =	vsub.f32 v16, v17  }
0x57: {  	v6 =	vld [tilespmem:s28+$0x10];
	v11 =	vsub.f32 v21, v22;
	v5 =	vsub.f32 v23, v24  }
0x58: {  	v15 =	vld [tilespmem:s26+$0xFFFFFF20];
	v8 =	vsub.f32 v27, v28;
	v20 =	vsub.f32 v25, v26  }
0x59: {  	v28 =	vld [tilespmem:s28+$0xFFFFFF80];
	v14 =	vsub.f32 v29, v30;
	v9 =	vsub.f32 v31, v32  }
0x5a: {  	v31 =	vld [tilespmem:s26+$0xFFFFFF90];
	v12 =	vsub.f32 v35, v36;
	v25 =	vsub.f32 v33, v34  }
0x5b: {  	v18 =	vsub.f32 v37, v38;
	v17 =	vsub.f32 v39, v40;
	v27 =	vld [tilespmem:s26+$0xFFFFFF00]  }
0x5c: {  	v62 =	vsub.f32 v41, v42;
	v63 =	vsub.f32 v43, v44;
	v29 =	vld [tilespmem:s28+$0xFFFFFF00]  }
0x5d: {  	v16 =	vsub.f32 v45, v46;
	v24 =	vsub.f32 v47, v48;
	v26 =	vld [tilespmem:s26+$0xFFFFFF10]  }
0x5e: {  	v0 =	vimm.f32 $0.0e+00;
	v21 =	vsub.f32 v49, v51;
	v30 =	vsub.f32 v54, v28;
	v28 =	vld [tilespmem:s28+$0xFFFFFF10]  }
0x5f: {  	v32 =	vmul.f32 v62, v62;
	v33 =	vmul.f32 v63, v63;
	v22 =	vsub.f32 v52, v6  }
0x60: {  	s30 =	simm.s32 $0x0;
	s31 =	simm.s32 $0x500;
	s29 =	simm.s32 $0x8300;
	v23 =	vsub.f32 v15, v53;
	v15 =	vmul.f32 v50, v50;
	v31 =	vsub.f32 v31, v61  }
.LBB2_2:
0x61: {  	v6 =	vld [tilespmem:s31+$0xF0];
	v27 =	vsub.f32 v27, v29;
	v19 =	vmul.f32 v19, v19;
	v29 =	vmul.f32 v7, v7;
	s28 =	sadd.s32 $0x200, s28  }
0x62: {  	v34 =	vmul.f32 v13, v13;
	v25 =	vmul.f32 v25, v25;
	v7 =	vld [tilespmem:s28+$0xF0];
	v13 =	vadd.f32 v33, v32  }
0x63: {  	v26 =	vsub.f32 v26, v28;
	v28 =	vmul.f32 v30, v30;
	v30 =	vmul.f32 v31, v31;
	v31 =	vld [tilespmem:s26+$0x70]  }
0x64: {  	v20 =	vmul.f32 v20, v20;
	v32 =	vld [tilespmem:s29+$0x70];
	v13 =	vadd.f32 v25, v13;
	v25 =	vmul.f32 v10, v10  }
0x65: {  	v24 =	vmul.f32 v24, v24;
	v10 =	vld [tilespmem:s31+$0xE0];
	v28 =	vadd.f32 v30, v28;
	v30 =	vmul.f32 v11, v11  }
0x66: {  	v27 =	vmul.f32 v27, v27;
	v26 =	vmul.f32 v26, v26;
	v11 =	vld [tilespmem:s28+$0xE0];
	v20 =	vadd.f32 v20, v13  }
0x67: {  	v18 =	vmul.f32 v18, v18;
	v13 =	vld [tilespmem:s31+$0xFFFFFFF0];
	v24 =	vadd.f32 v24, v28;
	v28 =	vmul.f32 v14, v14  }
0x68: {  	v23 =	vmul.f32 v23, v23;
	v26 =	vadd.f32 v26, v27;
	v14 =	vld [tilespmem:s28+$0xFFFFFFF0];
	v20 =	vadd.f32 v25, v20  }
0x69: {  	v21 =	vmul.f32 v21, v21;
	v22 =	vmul.f32 v22, v22;
	v18 =	vadd.f32 v18, v24;
	v24 =	vld [tilespmem:s26+$0x60];
	s26 =	smov.u32 s31  }
0x6a: {  	v25 =	vmul.f32 v16, v16;
	v23 =	vadd.f32 v23, v26;
	v26 =	vld [tilespmem:s29+$0x60];
	v19 =	vadd.f32 v19, v20;
	s29 =	smov.u32 s28  }
0x6b: {  	v20 =	vadd.f32 v22, v21;
	v21 =	vmul.f32 v17, v17;
	v16 =	vld [tilespmem:s31+$0xD0];
	v18 =	vadd.f32 v28, v18  }
0x6c: {  	v22 =	vadd.f32 v25, v23;
	v23 =	vmul.f32 v12, v12;
	v17 =	vld [tilespmem:s28+$0xD0];
	v19 =	vadd.f32 v29, v19  }
0x6d: {  	v8 =	vmul.f32 v8, v8;
	v20 =	vadd.f32 v21, v20;
	v12 =	vld [tilespmem:s31+$0xFFFFFF70];
	v18 =	vadd.f32 v30, v18  }
0x6e: {  	v9 =	vmul.f32 v9, v9;
	v22 =	vadd.f32 v23, v22;
	v21 =	vld [tilespmem:s28+$0xFFFFFF70];
	v15 =	vadd.f32 v15, v19  }
0x6f: {  	v4 =	vmul.f32 v4, v4;
	v2 =	vmul.f32 v2, v2;
	v23 =	vld [tilespmem:s31+$0xFFFFFFE0];
	v18 =	vadd.f32 v34, v18  }
0x70: {  	v5 =	vmul.f32 v5, v5;
	v9 =	vadd.f32 v9, v20;
	v8 =	vadd.f32 v8, v22;
	v25 =	vld [tilespmem:s28+$0xFFFFFFE0];
	(xrf2) =	vadd.scan.msk.f32 $0xffff, v15  }
0x71: {  	v1 =	vmul.f32 v1, v1;
	v15 =	vld [tilespmem:s31+$0x50];
	v2 =	vadd.f32 v2, v18;
	v18 =	vsub.f32 v24, v26  }
0x72: {  	v3 =	vmul.f32 v3, v3;
	v5 =	vadd.f32 v5, v9;
	v4 =	vadd.f32 v4, v8;
	v20 =	vld [tilespmem:s28+$0x50]  }
0x73: {  	v9 =	vsub.f32 v31, v32;
	v8 =	vld [tilespmem:s31+$0xC0];
	(xrf2) =	vadd.scan.msk.f32 $0xffff, v2  }
0x74: {  	v1 =	vadd.f32 v1, v4;
	v2 =	vadd.f32 v3, v5;
	v3 =	vmul.f32 v18, v18;
	v22 =	vld [tilespmem:s28+$0xC0]  }
0x75: {  	v4 =	vld [tilespmem:s31+$0xFFFFFF60]  }
0x76: {  	v2 =	vadd.f32 v3, v2;
	v3 =	vmul.f32 v9, v9;
	v5 =	vld [tilespmem:s28+$0xFFFFFF60];
	(xrf2) =	vadd.scan.msk.f32 $0xffff, v1  }
0x77: {  	v9 =	vld [tilespmem:s31+$0xFFFFFFD0]  }
0x78: {  	v2 =	vadd.f32 v3, v2;
	v18 =	vld [tilespmem:s28+$0xFFFFFFD0]  }
0x79: {  	v24 =	vld [tilespmem:s31+$0x40]  }
0x7a: {  	v26 =	vld [tilespmem:s28+$0x40];
	(xrf2) =	vadd.scan.msk.f32 $0xffff, v2;
	v1, _, _ =	vpop (xrf2)  }
0x7b: {  	v27 =	vld [tilespmem:s31+$0xB0]  }
0x7c: {  	v28 =	vld [tilespmem:s28+$0xB0]  }
0x7d: {  	v29 =	vld [tilespmem:s31+$0xFFFFFF50];
	v2, _, _ =	vpop (xrf2)  }
0x7e: {  	v30 =	vld [tilespmem:s28+$0xFFFFFF50]  }
0x7f: {  	v31 =	vld [tilespmem:s31+$0xFFFFFFC0]  }
0x80: {  	v32 =	vld [tilespmem:s28+$0xFFFFFFC0];
	v3, _, _ =	vpop (xrf2)  }
0x81: {  	v33 =	vld [tilespmem:s31+$0x30];
	v3 =	vmax.f32 v3, $9.999999960e-13  }
0x82: {  	v34 =	vld [tilespmem:s28+$0x30];
	v19 =	vmin.f32 v3, $9.999999950e+11  }
0x83: {  	v2 =	vmax.f32 v2, $9.999999960e-13;
	v35 =	vld [tilespmem:s31+$0xA0];
	v0 =	vadd.f32 v19, v0  }
0x84: {  	v2 =	vmin.f32 v2, $9.999999950e+11;
	v36 =	vld [tilespmem:s28+$0xA0];
	v3, _, _ =	vpop (xrf2)  }
0x85: {  	v37 =	vld [tilespmem:s31+$0xFFFFFF40];
	v0 =	vadd.f32 v2, v0;
	v2 =	vmax.f32 v3, $9.999999960e-13  }
0x86: {  	v38 =	vld [tilespmem:s28+$0xFFFFFF40];
	v2 =	vmin.f32 v2, $9.999999950e+11  }
0x87: {  	v1 =	vmax.f32 v1, $9.999999960e-13;
	v39 =	vld [tilespmem:s31+$0xFFFFFFB0];
	v0 =	vadd.f32 v2, v0  }
0x88: {  	v1 =	vmin.f32 v1, $9.999999950e+11;
	v40 =	vld [tilespmem:s28+$0xFFFFFFB0]  }
0x89: {  	v41 =	vld [tilespmem:s31+$0x20];
	v0 =	vadd.f32 v1, v0  }
0x8a: {  	v42 =	vld [tilespmem:s28+$0x20]  }
0x8b: {  	v43 =	vld [tilespmem:s31+$0x80]  }
0x8c: {  	v44 =	vld [tilespmem:s28+$0x80]  }
0x8d: {  	v45 =	vld [tilespmem:s31+$0x90]  }
0x8e: {  	v46 =	vld [tilespmem:s28+$0x90]  }
0x8f: {  	v47 =	vld [tilespmem:s31+$0xFFFFFF30]  }
0x90: {  	v48 =	vld [tilespmem:s28+$0xFFFFFF30]  }
0x91: {  	v49 =	vld [tilespmem:s31+$0xFFFFFFA0]  }
0x92: {  	v50 =	vld [tilespmem:s28+$0xFFFFFFA0]  }
0x93: {  	v51 =	vld [tilespmem:s31+$0x0]  }
0x94: {  	v6 =	vsub.f32 v6, v7;
	v52 =	vld [tilespmem:s28+$0x0]  }
0x95: {  	v7 =	vsub.f32 v10, v11;
	v2 =	vsub.f32 v13, v14;
	v53 =	vld [tilespmem:s31+$0x10]  }
0x96: {  	v19 =	vsub.f32 v16, v17;
	v1 =	vsub.f32 v12, v21;
	v54 =	vld [tilespmem:s28+$0x10]  }
0x97: {  	v3 =	vsub.f32 v15, v20;
	v13 =	vsub.f32 v23, v25;
	v55 =	vld [tilespmem:s31+$0xFFFFFF20]  }
0x98: {  	v10 =	vsub.f32 v8, v22;
	v4 =	vsub.f32 v4, v5;
	v15 =	vld [tilespmem:s28+$0xFFFFFF20]  }
0x99: {  	v11 =	vsub.f32 v9, v18;
	v5 =	vsub.f32 v24, v26;
	v56 =	vld [tilespmem:s31+$0xFFFFFF80]  }
0x9a: {  	v8 =	vsub.f32 v29, v30;
	v20 =	vsub.f32 v27, v28;
	v30 =	vld [tilespmem:s28+$0xFFFFFF80]  }
0x9b: {  	v14 =	vsub.f32 v31, v32;
	v9 =	vsub.f32 v33, v34;
	v57 =	vld [tilespmem:s31+$0xFFFFFF90]  }
0x9c: {  	s30 =	sadd.s32 $0x4, s30;
	v25 =	vsub.f32 v35, v36;
	v12 =	vsub.f32 v37, v38;
	v31 =	vld [tilespmem:s28+$0xFFFFFF90]  }
0x9d: {  	p0 =	slt.u32 s30, $0x7C;
	v18 =	vsub.f32 v39, v40;
	v17 =	vsub.f32 v41, v42;
	v27 =	vld [tilespmem:s31+$0xFFFFFF00]  }
.Ltmp0:
0x9e: {  	v32 =	vsub.f32 v43, v44;
	v33 =	vsub.f32 v45, v46;
	v29 =	vld [tilespmem:s28+$0xFFFFFF00];
	(pc) =	sbr.rel @p0 .LBB2_2-.Ltmp0, $4  }
0x9f: {  	v16 =	vsub.f32 v47, v48;
	v24 =	vsub.f32 v49, v50;
	v26 =	vld [tilespmem:s31+$0xFFFFFF10]  }
0xa0: {  	v21 =	vsub.f32 v51, v52;
	v22 =	vsub.f32 v53, v54;
	v28 =	vld [tilespmem:s28+$0xFFFFFF10]  }
0xa1: {  	v23 =	vsub.f32 v55, v15;
	v15 =	vmul.f32 v6, v6;
	v30 =	vsub.f32 v56, v30  }
0xa2: {  	v32 =	vmul.f32 v32, v32;
	v33 =	vmul.f32 v33, v33;
	s31 =	sadd.s32 $0x200, s31;
	v31 =	vsub.f32 v57, v31  }
0xa3: {  	v6 =	vmul.f32 v19, v19  }
0xa4: {  	v7 =	vmul.f32 v7, v7;
	v13 =	vmul.f32 v13, v13  }
0xa5: {  	v19 =	vsub.f32 v27, v29;
	v25 =	vmul.f32 v25, v25;
	v29 =	vmul.f32 v30, v30  }
0xa6: {  	v20 =	vmul.f32 v20, v20;
	v10 =	vmul.f32 v10, v10  }
0xa7: {  	v24 =	vmul.f32 v24, v24;
	v11 =	vmul.f32 v11, v11;
	v27 =	vadd.f32 v33, v32  }
0xa8: {  	v18 =	vmul.f32 v18, v18;
	v30 =	vmul.f32 v31, v31;
	v26 =	vsub.f32 v26, v28  }
0xa9: {  	v14 =	vmul.f32 v14, v14;
	v21 =	vmul.f32 v21, v21;
	v25 =	vadd.f32 v25, v27  }
0xaa: {  	v19 =	vmul.f32 v19, v19;
	v27 =	vadd.f32 v30, v29;
	v26 =	vmul.f32 v26, v26  }
0xab: {  	v22 =	vmul.f32 v22, v22;
	v23 =	vmul.f32 v23, v23;
	v20 =	vadd.f32 v20, v25  }
0xac: {  	v17 =	vmul.f32 v17, v17;
	v24 =	vadd.f32 v24, v27;
	v19 =	vadd.f32 v26, v19  }
0xad: {  	v16 =	vmul.f32 v16, v16;
	v21 =	vadd.f32 v22, v21;
	v22 =	vld [tilespmem:s29+$0x60];
	v10 =	vadd.f32 v10, v20  }
0xae: {  	v9 =	vmul.f32 v9, v9;
	v18 =	vadd.f32 v18, v24;
	v20 =	vld [tilespmem:s26+$0x60];
	v19 =	vadd.f32 v23, v19  }
0xaf: {  	v12 =	vmul.f32 v12, v12;
	v17 =	vadd.f32 v17, v21;
	v6 =	vadd.f32 v6, v10;
	v10 =	vld [tilespmem:s26+$0x70]  }
0xb0: {  	v5 =	vmul.f32 v5, v5;
	v14 =	vadd.f32 v14, v18;
	v18 =	vld [tilespmem:s29+$0x70];
	v16 =	vadd.f32 v16, v19  }
0xb1: {  	v6 =	vadd.f32 v7, v6;
	v7 =	vmul.f32 v8, v8;
	v8 =	vadd.f32 v9, v17  }
0xb2: {  	v4 =	vmul.f32 v4, v4;
	v9 =	vadd.f32 v11, v14;
	v11 =	vadd.f32 v12, v16  }
0xb3: {  	v3 =	vmul.f32 v3, v3;
	v12 =	vsub.f32 v20, v22;
	v5 =	vadd.f32 v5, v8  }
0xb4: {  	v2 =	vmul.f32 v2, v2;
	v8 =	vadd.f32 v13, v9;
	v7 =	vadd.f32 v7, v11  }
0xb5: {  	v9 =	vsub.f32 v10, v18;
	v3 =	vadd.f32 v3, v5;
	v5 =	vmul.f32 v12, v12  }
0xb6: {  	v1 =	vmul.f32 v1, v1;
	v6 =	vadd.f32 v15, v6;
	v4 =	vadd.f32 v4, v7  }
0xb7: {  	v2 =	vadd.f32 v2, v8;
	v3 =	vadd.f32 v5, v3;
	v5 =	vmul.f32 v9, v9  }
0xb8: {  	(xrf2) =	vadd.scan.msk.f32 $0xffff, v6;
	v1 =	vadd.f32 v1, v4  }
0xb9: {  	(xrf2) =	vadd.scan.msk.f32 $0xffff, v2;
	v2 =	vadd.f32 v5, v3  }
0xba: {  	(xrf2) =	vadd.scan.msk.f32 $0xffff, v1  }
0xbb: {  	(xrf2) =	vadd.scan.msk.f32 $0xffff, v2;
	_ =	sdelay $0x6  }
0xbc: {  	s31 =	simm.s32 $0x0;
	v1, _, _ =	vpop (xrf2)  }
0xbd: {  	[tilespmem:s11], [sflag:$0x1] =	stream.linear.gather [hbm4b:s7+s31], $0x4000, $0x38;
	v2, _, _ =	vpop (xrf2);
	[tilespmem:$0x10280] =	vst v63  }
0xbe: {  	v3, _, _ =	vpop (xrf2)  }
0xbf: {  	[tilespmem:s15], [sflag:$0x3] =	stream.indirect.gather [hbm4b:s2+s12], $0x80, s20, s12, $0xb8;
	v4, _, _ =	vpop (xrf2);
	[tilespmem:$0x10280] =	vst v63  }
0xc0: {  	_ =	swait.ge [sflag:s21], $0x4000  }
0xc1: {  	[sflag:s21] =	ssyncset.done $0x0  }
0xc2: {  	[sflag:s21] =	ssyncadd.s32 $0xFFFFC000  }
0xc3: {  	_ =	swait.ge [sflag:s22], $0x4000  }
0xc4: {  	[sflag:s22] =	ssyncset.done $0x0  }
0xc5: {  	s26 =	simm.s32 $0x0;
	[sflag:s22] =	ssyncadd.s32 $0xFFFFC000  }
0xc6: {  	v5 =	vld [tilespmem:s26+$0x43F0]  }
0xc7: {  	v6 =	vld [tilespmem:s26+$0xC3F0]  }
0xc8: {  	v7 =	vld [tilespmem:s26+$0x43E0]  }
0xc9: {  	v8 =	vld [tilespmem:s26+$0xC3E0]  }
0xca: {  	v9 =	vld [tilespmem:s26+$0x42F0]  }
0xcb: {  	v10 =	vld [tilespmem:s26+$0xC2F0]  }
0xcc: {  	v11 =	vld [tilespmem:s26+$0x43D0]  }
0xcd: {  	v12 =	vld [tilespmem:s26+$0xC3D0]  }
0xce: {  	v13 =	vld [tilespmem:s26+$0x4270]  }
0xcf: {  	v14 =	vld [tilespmem:s26+$0xC270]  }
0xd0: {  	v15 =	vld [tilespmem:s26+$0x42E0]  }
0xd1: {  	v16 =	vld [tilespmem:s26+$0xC2E0]  }
0xd2: {  	v17 =	vld [tilespmem:s26+$0x4350]  }
0xd3: {  	v18 =	vld [tilespmem:s26+$0xC350]  }
0xd4: {  	v20 =	vld [tilespmem:s26+$0x43C0]  }
0xd5: {  	v21 =	vld [tilespmem:s26+$0xC3C0]  }
0xd6: {  	v22 =	vld [tilespmem:s26+$0x4260]  }
0xd7: {  	v23 =	vld [tilespmem:s26+$0xC260]  }
0xd8: {  	v24 =	vld [tilespmem:s26+$0x42D0]  }
0xd9: {  	v25 =	vld [tilespmem:s26+$0xC2D0]  }
0xda: {  	v26 =	vld [tilespmem:s26+$0x4340]  }
0xdb: {  	v27 =	vld [tilespmem:s26+$0xC340]  }
0xdc: {  	v28 =	vld [tilespmem:s26+$0x43B0]  }
0xdd: {  	v29 =	vld [tilespmem:s26+$0xC3B0]  }
0xde: {  	v30 =	vld [tilespmem:s26+$0x4250]  }
0xdf: {  	v31 =	vld [tilespmem:s26+$0xC250]  }
0xe0: {  	v62 =	vld [tilespmem:s26+$0x42C0]  }
0xe1: {  	v63 =	vld [tilespmem:s26+$0xC2C0]  }
0xe2: {  	v34 =	vld [tilespmem:s26+$0x4330]  }
0xe3: {  	v35 =	vld [tilespmem:s26+$0xC330]  }
0xe4: {  	v36 =	vld [tilespmem:s26+$0x43A0]  }
0xe5: {  	v37 =	vld [tilespmem:s26+$0xC3A0]  }
0xe6: {  	v38 =	vld [tilespmem:s26+$0x4240]  }
0xe7: {  	v39 =	vld [tilespmem:s26+$0xC240]  }
0xe8: {  	v40 =	vld [tilespmem:s26+$0x42B0]  }
0xe9: {  	v41 =	vld [tilespmem:s26+$0xC2B0]  }
0xea: {  	v42 =	vld [tilespmem:s26+$0x4320]  }
0xeb: {  	v43 =	vld [tilespmem:s26+$0xC320]  }
0xec: {  	v44 =	vld [tilespmem:s26+$0x4380]  }
0xed: {  	v3 =	vmax.f32 v3, $9.999999960e-13;
	v45 =	vld [tilespmem:s26+$0xC380]  }
0xee: {  	v3 =	vmin.f32 v3, $9.999999950e+11;
	v46 =	vld [tilespmem:s26+$0x4390]  }
0xef: {  	v2 =	vmax.f32 v2, $9.999999960e-13;
	v0 =	vadd.f32 v3, v0;
	v47 =	vld [tilespmem:s26+$0xC390]  }
0xf0: {  	v2 =	vmin.f32 v2, $9.999999950e+11;
	v48 =	vld [tilespmem:s26+$0x4230]  }
0xf1: {  	v0 =	vadd.f32 v2, v0;
	v2 =	vmax.f32 v4, $9.999999960e-13;
	v49 =	vld [tilespmem:s26+$0xC230]  }
0xf2: {  	v2 =	vmin.f32 v2, $9.999999950e+11;
	v50 =	vld [tilespmem:s26+$0x42A0]  }
0xf3: {  	v1 =	vmax.f32 v1, $9.999999960e-13;
	v0 =	vadd.f32 v2, v0;
	v51 =	vld [tilespmem:s26+$0xC2A0]  }
0xf4: {  	v1 =	vmin.f32 v1, $9.999999950e+11;
	v52 =	vld [tilespmem:s26+$0x4300]  }
0xf5: {  	v54 =	vld [tilespmem:s26+$0xC300];
	v0 =	vadd.f32 v1, v0;
	v53 =	vsub.f32 v5, v6  }
0xf6: {  	v55 =	vld [tilespmem:s26+$0x4310];
	v2 =	vsub.f32 v9, v10;
	v7 =	vsub.f32 v7, v8  }
0xf7: {  	v56 =	vld [tilespmem:s26+$0xC310];
	v1 =	vsub.f32 v13, v14;
	v19 =	vsub.f32 v11, v12  }
0xf8: {  	v57 =	vld [tilespmem:s26+$0x4280];
	v12 =	vsub.f32 v15, v16;
	v3 =	vsub.f32 v17, v18  }
0xf9: {  	v58 =	vld [tilespmem:s26+$0xC280];
	v4 =	vsub.f32 v22, v23;
	v9 =	vsub.f32 v20, v21  }
0xfa: {  	v15 =	vld [tilespmem:s26+$0x4220];
	v11 =	vsub.f32 v24, v25;
	v5 =	vsub.f32 v26, v27  }
0xfb: {  	v23 =	vld [tilespmem:s26+$0xC220];
	v8 =	vsub.f32 v30, v31;
	v20 =	vsub.f32 v28, v29  }
0xfc: {  	v14 =	vsub.f32 v62, v63;
	v10 =	vsub.f32 v34, v35;
	v6 =	vld [tilespmem:s26+$0x4290]  }
0xfd: {  	v13 =	vsub.f32 v38, v39;
	v25 =	vsub.f32 v36, v37;
	v28 =	vld [tilespmem:s26+$0xC290]  }
0xfe: {  	v18 =	vsub.f32 v40, v41;
	v17 =	vsub.f32 v42, v43;
	v27 =	vld [tilespmem:s26+$0x4200]  }
0xff: {  	v31 =	vsub.f32 v44, v45;
	v32 =	vsub.f32 v46, v47;
	v30 =	vld [tilespmem:s26+$0xC200]  }
0x100: {  	v16 =	vsub.f32 v48, v49;
	v24 =	vsub.f32 v50, v51;
	v26 =	vld [tilespmem:s26+$0x4210]  }
0x101: {  	v21 =	vsub.f32 v52, v54;
	v22 =	vsub.f32 v55, v56;
	v29 =	vld [tilespmem:s26+$0xC210]  }
0x102: {  	s28 =	simm.s32 $0x0;
	s29 =	simm.s32 $0x800;
	v33 =	vsub.f32 v57, v58;
	v23 =	vsub.f32 v15, v23;
	v15 =	vmul.f32 v53, v53  }
.LBB2_4:
0x103: {  	s30 =	sshra.s32 s29, $0x2;
	v28 =	vsub.f32 v6, v28;
	v31 =	vmul.f32 v31, v31;
	v32 =	vmul.f32 v32, v32  }
0x104: {  	v19 =	vmul.f32 v19, v19;
	v6 =	vld [tilespmem:s30+$0x43F0];
	v27 =	vsub.f32 v27, v30;
	v30 =	vmul.f32 v7, v7  }
0x105: {  	v34 =	vmul.f32 v12, v12;
	v25 =	vmul.f32 v25, v25;
	v7 =	vld [tilespmem:s30+$0xC3F0];
	v12 =	vadd.f32 v32, v31  }
0x106: {  	v28 =	vmul.f32 v28, v28;
	v26 =	vsub.f32 v26, v29;
	v29 =	vmul.f32 v33, v33;
	v31 =	vld [tilespmem:s26+$0x4370]  }
0x107: {  	v20 =	vmul.f32 v20, v20;
	v32 =	vld [tilespmem:s26+$0xC370];
	v12 =	vadd.f32 v25, v12;
	v25 =	vmul.f32 v9, v9  }
0x108: {  	v24 =	vmul.f32 v24, v24;
	v9 =	vld [tilespmem:s30+$0x43E0];
	v28 =	vadd.f32 v28, v29;
	v29 =	vmul.f32 v11, v11  }
0x109: {  	v27 =	vmul.f32 v27, v27;
	v26 =	vmul.f32 v26, v26;
	v11 =	vld [tilespmem:s30+$0xC3E0];
	v20 =	vadd.f32 v20, v12  }
0x10a: {  	v18 =	vmul.f32 v18, v18;
	v12 =	vld [tilespmem:s30+$0x42F0];
	v24 =	vadd.f32 v24, v28;
	v28 =	vmul.f32 v14, v14  }
0x10b: {  	v23 =	vmul.f32 v23, v23;
	v26 =	vadd.f32 v26, v27;
	v14 =	vld [tilespmem:s30+$0xC2F0];
	v20 =	vadd.f32 v25, v20  }
0x10c: {  	v21 =	vmul.f32 v21, v21;
	v22 =	vmul.f32 v22, v22;
	v18 =	vadd.f32 v18, v24;
	v24 =	vld [tilespmem:s26+$0x4360]  }
0x10d: {  	v25 =	vmul.f32 v16, v16;
	v23 =	vadd.f32 v23, v26;
	v26 =	vld [tilespmem:s26+$0xC360];
	v19 =	vadd.f32 v19, v20;
	s26 =	smov.u32 s30  }
0x10e: {  	v20 =	vadd.f32 v22, v21;
	v21 =	vmul.f32 v17, v17;
	v16 =	vld [tilespmem:s26+$0x43D0];
	v18 =	vadd.f32 v28, v18  }
0x10f: {  	v22 =	vadd.f32 v25, v23;
	v23 =	vmul.f32 v13, v13;
	v17 =	vld [tilespmem:s26+$0xC3D0];
	v19 =	vadd.f32 v30, v19  }
0x110: {  	v8 =	vmul.f32 v8, v8;
	v20 =	vadd.f32 v21, v20;
	v13 =	vld [tilespmem:s26+$0x4270];
	v18 =	vadd.f32 v29, v18  }
0x111: {  	v10 =	vmul.f32 v10, v10;
	v22 =	vadd.f32 v23, v22;
	v21 =	vld [tilespmem:s26+$0xC270];
	v15 =	vadd.f32 v15, v19  }
0x112: {  	v4 =	vmul.f32 v4, v4;
	v2 =	vmul.f32 v2, v2;
	v23 =	vld [tilespmem:s26+$0x42E0];
	v18 =	vadd.f32 v34, v18  }
0x113: {  	v5 =	vmul.f32 v5, v5;
	v10 =	vadd.f32 v10, v20;
	v8 =	vadd.f32 v8, v22;
	v25 =	vld [tilespmem:s26+$0xC2E0];
	(xrf2) =	vadd.scan.msk.f32 $0xffff, v15  }
0x114: {  	v1 =	vmul.f32 v1, v1;
	v15 =	vld [tilespmem:s26+$0x4350];
	v2 =	vadd.f32 v2, v18;
	v18 =	vsub.f32 v24, v26  }
0x115: {  	v3 =	vmul.f32 v3, v3;
	v5 =	vadd.f32 v5, v10;
	v4 =	vadd.f32 v4, v8;
	v20 =	vld [tilespmem:s26+$0xC350]  }
0x116: {  	v10 =	vsub.f32 v31, v32;
	v8 =	vld [tilespmem:s26+$0x43C0];
	(xrf2) =	vadd.scan.msk.f32 $0xffff, v2  }
0x117: {  	v1 =	vadd.f32 v1, v4;
	v2 =	vadd.f32 v3, v5;
	v3 =	vmul.f32 v18, v18;
	v22 =	vld [tilespmem:s26+$0xC3C0]  }
0x118: {  	v4 =	vld [tilespmem:s26+$0x4260]  }
0x119: {  	v2 =	vadd.f32 v3, v2;
	v3 =	vmul.f32 v10, v10;
	v5 =	vld [tilespmem:s26+$0xC260];
	(xrf2) =	vadd.scan.msk.f32 $0xffff, v1  }
0x11a: {  	v10 =	vld [tilespmem:s26+$0x42D0]  }
0x11b: {  	v2 =	vadd.f32 v3, v2;
	v18 =	vld [tilespmem:s26+$0xC2D0]  }
0x11c: {  	v24 =	vld [tilespmem:s26+$0x4340]  }
0x11d: {  	v26 =	vld [tilespmem:s26+$0xC340];
	(xrf2) =	vadd.scan.msk.f32 $0xffff, v2;
	v1, _, _ =	vpop (xrf2)  }
0x11e: {  	v27 =	vld [tilespmem:s26+$0x43B0]  }
0x11f: {  	v28 =	vld [tilespmem:s26+$0xC3B0]  }
0x120: {  	v29 =	vld [tilespmem:s26+$0x4250];
	v2, _, _ =	vpop (xrf2)  }
0x121: {  	v30 =	vld [tilespmem:s26+$0xC250]  }
0x122: {  	v31 =	vld [tilespmem:s26+$0x42C0]  }
0x123: {  	v32 =	vld [tilespmem:s26+$0xC2C0];
	v3, _, _ =	vpop (xrf2)  }
0x124: {  	v33 =	vld [tilespmem:s26+$0x4330];
	v3 =	vmax.f32 v3, $9.999999960e-13  }
0x125: {  	v34 =	vld [tilespmem:s26+$0xC330];
	v19 =	vmin.f32 v3, $9.999999950e+11  }
0x126: {  	v2 =	vmax.f32 v2, $9.999999960e-13;
	v35 =	vld [tilespmem:s26+$0x43A0];
	v0 =	vadd.f32 v19, v0  }
0x127: {  	v2 =	vmin.f32 v2, $9.999999950e+11;
	v36 =	vld [tilespmem:s26+$0xC3A0];
	v3, _, _ =	vpop (xrf2)  }
0x128: {  	v37 =	vld [tilespmem:s26+$0x4240];
	v0 =	vadd.f32 v2, v0;
	v2 =	vmax.f32 v3, $9.999999960e-13  }
0x129: {  	v38 =	vld [tilespmem:s26+$0xC240];
	v2 =	vmin.f32 v2, $9.999999950e+11  }
0x12a: {  	v1 =	vmax.f32 v1, $9.999999960e-13;
	v39 =	vld [tilespmem:s26+$0x42B0];
	v0 =	vadd.f32 v2, v0  }
0x12b: {  	v1 =	vmin.f32 v1, $9.999999950e+11;
	v40 =	vld [tilespmem:s26+$0xC2B0]  }
0x12c: {  	v41 =	vld [tilespmem:s26+$0x4320];
	v0 =	vadd.f32 v1, v0  }
0x12d: {  	v42 =	vld [tilespmem:s26+$0xC320]  }
0x12e: {  	v43 =	vld [tilespmem:s26+$0x4380]  }
0x12f: {  	v44 =	vld [tilespmem:s26+$0xC380]  }
0x130: {  	v45 =	vld [tilespmem:s26+$0x4390]  }
0x131: {  	v46 =	vld [tilespmem:s26+$0xC390]  }
0x132: {  	v47 =	vld [tilespmem:s26+$0x4230]  }
0x133: {  	v48 =	vld [tilespmem:s26+$0xC230]  }
0x134: {  	v49 =	vld [tilespmem:s26+$0x42A0]  }
0x135: {  	v50 =	vld [tilespmem:s26+$0xC2A0]  }
0x136: {  	v51 =	vld [tilespmem:s26+$0x4300]  }
0x137: {  	v53 =	vsub.f32 v6, v7;
	v52 =	vld [tilespmem:s26+$0xC300]  }
0x138: {  	v7 =	vsub.f32 v9, v11;
	v2 =	vsub.f32 v12, v14;
	v54 =	vld [tilespmem:s26+$0x4310]  }
0x139: {  	v19 =	vsub.f32 v16, v17;
	v1 =	vsub.f32 v13, v21;
	v55 =	vld [tilespmem:s26+$0xC310]  }
0x13a: {  	v3 =	vsub.f32 v15, v20;
	v12 =	vsub.f32 v23, v25;
	v56 =	vld [tilespmem:s26+$0x4220]  }
0x13b: {  	v9 =	vsub.f32 v8, v22;
	v4 =	vsub.f32 v4, v5;
	v15 =	vld [tilespmem:s26+$0xC220]  }
0x13c: {  	v11 =	vsub.f32 v10, v18;
	v5 =	vsub.f32 v24, v26;
	v57 =	vld [tilespmem:s26+$0x4280]  }
0x13d: {  	v8 =	vsub.f32 v29, v30;
	v20 =	vsub.f32 v27, v28;
	v58 =	vld [tilespmem:s26+$0xC280]  }
0x13e: {  	s28 =	sadd.s32 $0x4, s28;
	v14 =	vsub.f32 v31, v32;
	v10 =	vsub.f32 v33, v34;
	v6 =	vld [tilespmem:s26+$0x4290]  }
0x13f: {  	p0 =	slt.u32 s28, $0x7C;
	v25 =	vsub.f32 v35, v36;
	v13 =	vsub.f32 v37, v38;
	v28 =	vld [tilespmem:s26+$0xC290]  }
.Ltmp1:
0x140: {  	v18 =	vsub.f32 v39, v40;
	v17 =	vsub.f32 v41, v42;
	v27 =	vld [tilespmem:s26+$0x4200];
	(pc) =	sbr.rel @p0 .LBB2_4-.Ltmp1, $4  }
0x141: {  	v31 =	vsub.f32 v43, v44;
	v32 =	vsub.f32 v45, v46;
	v30 =	vld [tilespmem:s26+$0xC200]  }
0x142: {  	v16 =	vsub.f32 v47, v48;
	v24 =	vsub.f32 v49, v50;
	v26 =	vld [tilespmem:s26+$0x4210]  }
0x143: {  	v21 =	vsub.f32 v51, v52;
	v22 =	vsub.f32 v54, v55;
	v29 =	vld [tilespmem:s26+$0xC210]  }
0x144: {  	s29 =	sadd.s32 $0x800, s29;
	v23 =	vsub.f32 v56, v15;
	v15 =	vmul.f32 v53, v53;
	v33 =	vsub.f32 v57, v58  }
0x145: {  	v31 =	vmul.f32 v31, v31  }
0x146: {  	v32 =	vmul.f32 v32, v32;
	v19 =	vmul.f32 v19, v19  }
0x147: {  	v7 =	vmul.f32 v7, v7;
	v12 =	vmul.f32 v12, v12  }
0x148: {  	v6 =	vsub.f32 v6, v28;
	v25 =	vmul.f32 v25, v25;
	v20 =	vmul.f32 v20, v20  }
0x149: {  	v9 =	vmul.f32 v9, v9;
	v24 =	vmul.f32 v24, v24;
	v28 =	vadd.f32 v32, v31  }
0x14a: {  	v27 =	vsub.f32 v27, v30;
	v30 =	vmul.f32 v33, v33;
	v6 =	vmul.f32 v6, v6  }
0x14b: {  	v11 =	vmul.f32 v11, v11;
	v26 =	vsub.f32 v26, v29;
	v25 =	vadd.f32 v25, v28  }
0x14c: {  	v18 =	vmul.f32 v18, v18;
	v14 =	vmul.f32 v14, v14;
	v6 =	vadd.f32 v6, v30  }
0x14d: {  	v27 =	vmul.f32 v27, v27;
	v26 =	vmul.f32 v26, v26;
	v20 =	vadd.f32 v20, v25  }
0x14e: {  	v21 =	vmul.f32 v21, v21;
	v22 =	vmul.f32 v22, v22;
	v6 =	vadd.f32 v24, v6  }
0x14f: {  	v23 =	vmul.f32 v23, v23;
	v24 =	vadd.f32 v26, v27;
	v9 =	vadd.f32 v9, v20  }
0x150: {  	v17 =	vmul.f32 v17, v17;
	v6 =	vadd.f32 v18, v6;
	v18 =	vld [tilespmem:s26+$0x4360];
	v20 =	vadd.f32 v22, v21  }
0x151: {  	v16 =	vmul.f32 v16, v16;
	v22 =	vld [tilespmem:s26+$0xC360];
	v21 =	vadd.f32 v23, v24;
	v9 =	vadd.f32 v19, v9  }
0x152: {  	v10 =	vmul.f32 v10, v10;
	v19 =	vld [tilespmem:s26+$0x4370];
	v6 =	vadd.f32 v14, v6;
	v14 =	vadd.f32 v17, v20  }
0x153: {  	v13 =	vmul.f32 v13, v13;
	v8 =	vmul.f32 v8, v8;
	v17 =	vld [tilespmem:s26+$0xC370];
	v16 =	vadd.f32 v16, v21  }
0x154: {  	v5 =	vmul.f32 v5, v5;
	v7 =	vadd.f32 v7, v9;
	v9 =	vadd.f32 v10, v14  }
0x155: {  	v4 =	vmul.f32 v4, v4;
	v6 =	vadd.f32 v11, v6;
	v10 =	vadd.f32 v13, v16  }
0x156: {  	v3 =	vmul.f32 v3, v3;
	v11 =	vsub.f32 v18, v22;
	v5 =	vadd.f32 v5, v9  }
0x157: {  	v2 =	vmul.f32 v2, v2;
	v6 =	vadd.f32 v12, v6;
	v8 =	vadd.f32 v8, v10  }
0x158: {  	v9 =	vsub.f32 v19, v17;
	v3 =	vadd.f32 v3, v5;
	v5 =	vmul.f32 v11, v11  }
0x159: {  	v1 =	vmul.f32 v1, v1;
	v7 =	vadd.f32 v15, v7;
	v4 =	vadd.f32 v4, v8  }
0x15a: {  	v2 =	vadd.f32 v2, v6;
	v3 =	vadd.f32 v5, v3;
	v5 =	vmul.f32 v9, v9  }
0x15b: {  	(xrf2) =	vadd.scan.msk.f32 $0xffff, v7;
	v1 =	vadd.f32 v1, v4  }
0x15c: {  	(xrf2) =	vadd.scan.msk.f32 $0xffff, v2;
	v2 =	vadd.f32 v5, v3  }
0x15d: {  	(xrf2) =	vadd.scan.msk.f32 $0xffff, v1  }
0x15e: {  	(xrf2) =	vadd.scan.msk.f32 $0xffff, v2;
	_ =	sdelay $0x6  }
0x15f: {  	v1, _, _ =	vpop (xrf2)  }
0x160: {  	[tilespmem:s16], [sflag:$0x2] =	stream.linear.gather [hbm4b:s8+s3], $0x4000, $0x38;
	v2, _, _ =	vpop (xrf2);
	[tilespmem:$0x10280] =	vst v63  }
0x161: {  	v3, _, _ =	vpop (xrf2)  }
0x162: {  	[tilespmem:s17], [sflag:$0x4] =	stream.indirect.gather [hbm4b:s2+s12], $0x80, s23, s12, $0xb8;
	v4, _, _ =	vpop (xrf2);
	[tilespmem:$0x10280] =	vst v63  }
0x163: {  	_ =	swait.ge [sflag:s18], $0x4000  }
0x164: {  	[sflag:s18] =	ssyncset.done $0x0  }
0x165: {  	[sflag:s18] =	ssyncadd.s32 $0xFFFFC000  }
0x166: {  	_ =	swait.ge [sflag:s19], $0x4000  }
0x167: {  	[sflag:s19] =	ssyncset.done $0x0  }
0x168: {  	s26 =	simm.s32 $0x300;
	[sflag:s19] =	ssyncadd.s32 $0xFFFFC000  }
0x169: {  	s28 =	simm.s32 $0x8300;
	v5 =	vld [tilespmem:s26+$0xF0]  }
0x16a: {  	v6 =	vld [tilespmem:s28+$0xF0]  }
0x16b: {  	v7 =	vld [tilespmem:s26+$0xE0]  }
0x16c: {  	v8 =	vld [tilespmem:s28+$0xE0]  }
0x16d: {  	v9 =	vld [tilespmem:s26+$0xFFFFFFF0]  }
0x16e: {  	v10 =	vld [tilespmem:s28+$0xFFFFFFF0]  }
0x16f: {  	v11 =	vld [tilespmem:s26+$0xD0]  }
0x170: {  	v12 =	vld [tilespmem:s28+$0xD0]  }
0x171: {  	v13 =	vld [tilespmem:s26+$0xFFFFFF70]  }
0x172: {  	v14 =	vld [tilespmem:s28+$0xFFFFFF70]  }
0x173: {  	v15 =	vld [tilespmem:s26+$0xFFFFFFE0]  }
0x174: {  	v16 =	vld [tilespmem:s28+$0xFFFFFFE0]  }
0x175: {  	v17 =	vld [tilespmem:s26+$0x50]  }
0x176: {  	v18 =	vld [tilespmem:s28+$0x50]  }
0x177: {  	v20 =	vld [tilespmem:s26+$0xC0]  }
0x178: {  	v21 =	vld [tilespmem:s28+$0xC0]  }
0x179: {  	v22 =	vld [tilespmem:s26+$0xFFFFFF60]  }
0x17a: {  	v23 =	vld [tilespmem:s28+$0xFFFFFF60]  }
0x17b: {  	v24 =	vld [tilespmem:s26+$0xFFFFFFD0]  }
0x17c: {  	v25 =	vld [tilespmem:s28+$0xFFFFFFD0]  }
0x17d: {  	v26 =	vld [tilespmem:s26+$0x40]  }
0x17e: {  	v27 =	vld [tilespmem:s28+$0x40]  }
0x17f: {  	v28 =	vld [tilespmem:s26+$0xB0]  }
0x180: {  	v29 =	vld [tilespmem:s28+$0xB0]  }
0x181: {  	v30 =	vld [tilespmem:s26+$0xFFFFFF50]  }
0x182: {  	v31 =	vld [tilespmem:s28+$0xFFFFFF50]  }
0x183: {  	v63 =	vld [tilespmem:s26+$0xFFFFFFC0]  }
0x184: {  	v60 =	vld [tilespmem:s28+$0xFFFFFFC0]  }
0x185: {  	v34 =	vld [tilespmem:s26+$0x30]  }
0x186: {  	v35 =	vld [tilespmem:s28+$0x30]  }
0x187: {  	v36 =	vld [tilespmem:s26+$0xA0]  }
0x188: {  	v37 =	vld [tilespmem:s28+$0xA0]  }
0x189: {  	v38 =	vld [tilespmem:s26+$0xFFFFFF40]  }
0x18a: {  	v39 =	vld [tilespmem:s28+$0xFFFFFF40]  }
0x18b: {  	v40 =	vld [tilespmem:s26+$0xFFFFFFB0]  }
0x18c: {  	v41 =	vld [tilespmem:s28+$0xFFFFFFB0]  }
0x18d: {  	v42 =	vld [tilespmem:s26+$0x20]  }
0x18e: {  	v43 =	vld [tilespmem:s28+$0x20]  }
0x18f: {  	v44 =	vld [tilespmem:s26+$0x80]  }
0x190: {  	v3 =	vmax.f32 v3, $9.999999960e-13;
	v45 =	vld [tilespmem:s28+$0x80]  }
0x191: {  	v3 =	vmin.f32 v3, $9.999999950e+11;
	v46 =	vld [tilespmem:s26+$0x90]  }
0x192: {  	v2 =	vmax.f32 v2, $9.999999960e-13;
	v0 =	vadd.f32 v3, v0;
	v47 =	vld [tilespmem:s28+$0x90]  }
0x193: {  	v2 =	vmin.f32 v2, $9.999999950e+11;
	v48 =	vld [tilespmem:s26+$0xFFFFFF30]  }
0x194: {  	v0 =	vadd.f32 v2, v0;
	v2 =	vmax.f32 v4, $9.999999960e-13;
	v49 =	vld [tilespmem:s28+$0xFFFFFF30]  }
0x195: {  	v2 =	vmin.f32 v2, $9.999999950e+11;
	v50 =	vld [tilespmem:s26+$0xFFFFFFA0]  }
0x196: {  	v1 =	vmax.f32 v1, $9.999999960e-13;
	v0 =	vadd.f32 v2, v0;
	v51 =	vld [tilespmem:s28+$0xFFFFFFA0]  }
0x197: {  	v1 =	vmin.f32 v1, $9.999999950e+11;
	v52 =	vld [tilespmem:s26+$0x0]  }
0x198: {  	v53 =	vld [tilespmem:s28+$0x0];
	v0 =	vadd.f32 v1, v0;
	v6 =	vsub.f32 v5, v6  }
0x199: {  	v54 =	vld [tilespmem:s26+$0x10];
	v2 =	vsub.f32 v9, v10;
	v7 =	vsub.f32 v7, v8  }
0x19a: {  	v55 =	vld [tilespmem:s28+$0x10];
	v1 =	vsub.f32 v13, v14;
	v19 =	vsub.f32 v11, v12  }
0x19b: {  	v56 =	vld [tilespmem:s26+$0xFFFFFF80];
	v13 =	vsub.f32 v15, v16;
	v3 =	vsub.f32 v17, v18  }
0x19c: {  	v61 =	vld [tilespmem:s28+$0xFFFFFF90];
	v4 =	vsub.f32 v22, v23;
	v9 =	vsub.f32 v20, v21  }
0x19d: {  	v15 =	vld [tilespmem:s26+$0xFFFFFF20];
	v11 =	vsub.f32 v24, v25;
	v5 =	vsub.f32 v26, v27  }
0x19e: {  	v23 =	vld [tilespmem:s28+$0xFFFFFF20];
	v8 =	vsub.f32 v30, v31;
	v20 =	vsub.f32 v28, v29  }
0x19f: {  	v28 =	vld [tilespmem:s28+$0xFFFFFF80];
	v14 =	vsub.f32 v63, v60;
	v10 =	vsub.f32 v34, v35  }
0x1a0: {  	v31 =	vld [tilespmem:s26+$0xFFFFFF90];
	v12 =	vsub.f32 v38, v39;
	v25 =	vsub.f32 v36, v37  }
0x1a1: {  	v18 =	vsub.f32 v40, v41;
	v17 =	vsub.f32 v42, v43;
	v27 =	vld [tilespmem:s26+$0xFFFFFF00]  }
0x1a2: {  	v62 =	vsub.f32 v44, v45;
	v63 =	vsub.f32 v46, v47;
	v29 =	vld [tilespmem:s28+$0xFFFFFF00]  }
0x1a3: {  	v16 =	vsub.f32 v48, v49;
	v24 =	vsub.f32 v50, v51;
	v26 =	vld [tilespmem:s26+$0xFFFFFF10]  }
0x1a4: {  	v21 =	vsub.f32 v52, v53;
	v30 =	vsub.f32 v56, v28;
	v28 =	vld [tilespmem:s28+$0xFFFFFF10]  }
0x1a5: {  	v22 =	vsub.f32 v54, v55;
	v32 =	vmul.f32 v62, v62;
	v33 =	vmul.f32 v63, v63  }
0x1a6: {  	s30 =	simm.s32 $0x0;
	s31 =	simm.s32 $0x500;
	s29 =	simm.s32 $0x8300;
	v23 =	vsub.f32 v15, v23;
	v15 =	vmul.f32 v6, v6;
	v31 =	vsub.f32 v31, v61  }
.LBB2_6:
0x1a7: {  	v6 =	vld [tilespmem:s31+$0xF0];
	v27 =	vsub.f32 v27, v29;
	v19 =	vmul.f32 v19, v19;
	v29 =	vmul.f32 v7, v7;
	s28 =	sadd.s32 $0x200, s28  }
0x1a8: {  	v34 =	vmul.f32 v13, v13;
	v25 =	vmul.f32 v25, v25;
	v7 =	vld [tilespmem:s28+$0xF0];
	v13 =	vadd.f32 v33, v32  }
0x1a9: {  	v26 =	vsub.f32 v26, v28;
	v28 =	vmul.f32 v30, v30;
	v30 =	vmul.f32 v31, v31;
	v31 =	vld [tilespmem:s26+$0x70]  }
0x1aa: {  	v20 =	vmul.f32 v20, v20;
	v32 =	vld [tilespmem:s29+$0x70];
	v13 =	vadd.f32 v25, v13;
	v25 =	vmul.f32 v9, v9  }
0x1ab: {  	v24 =	vmul.f32 v24, v24;
	v9 =	vld [tilespmem:s31+$0xE0];
	v28 =	vadd.f32 v30, v28;
	v30 =	vmul.f32 v11, v11  }
0x1ac: {  	v27 =	vmul.f32 v27, v27;
	v26 =	vmul.f32 v26, v26;
	v11 =	vld [tilespmem:s28+$0xE0];
	v20 =	vadd.f32 v20, v13  }
0x1ad: {  	v18 =	vmul.f32 v18, v18;
	v13 =	vld [tilespmem:s31+$0xFFFFFFF0];
	v24 =	vadd.f32 v24, v28;
	v28 =	vmul.f32 v14, v14  }
0x1ae: {  	v23 =	vmul.f32 v23, v23;
	v26 =	vadd.f32 v26, v27;
	v14 =	vld [tilespmem:s28+$0xFFFFFFF0];
	v20 =	vadd.f32 v25, v20  }
0x1af: {  	v21 =	vmul.f32 v21, v21;
	v22 =	vmul.f32 v22, v22;
	v18 =	vadd.f32 v18, v24;
	v24 =	vld [tilespmem:s26+$0x60];
	s26 =	smov.u32 s31  }
0x1b0: {  	v25 =	vmul.f32 v16, v16;
	v23 =	vadd.f32 v23, v26;
	v26 =	vld [tilespmem:s29+$0x60];
	v19 =	vadd.f32 v19, v20;
	s29 =	smov.u32 s28  }
0x1b1: {  	v20 =	vadd.f32 v22, v21;
	v21 =	vmul.f32 v17, v17;
	v16 =	vld [tilespmem:s31+$0xD0];
	v18 =	vadd.f32 v28, v18  }
0x1b2: {  	v22 =	vadd.f32 v25, v23;
	v23 =	vmul.f32 v12, v12;
	v17 =	vld [tilespmem:s28+$0xD0];
	v19 =	vadd.f32 v29, v19  }
0x1b3: {  	v8 =	vmul.f32 v8, v8;
	v20 =	vadd.f32 v21, v20;
	v12 =	vld [tilespmem:s31+$0xFFFFFF70];
	v18 =	vadd.f32 v30, v18  }
0x1b4: {  	v10 =	vmul.f32 v10, v10;
	v22 =	vadd.f32 v23, v22;
	v21 =	vld [tilespmem:s28+$0xFFFFFF70];
	v15 =	vadd.f32 v15, v19  }
0x1b5: {  	v4 =	vmul.f32 v4, v4;
	v2 =	vmul.f32 v2, v2;
	v23 =	vld [tilespmem:s31+$0xFFFFFFE0];
	v18 =	vadd.f32 v34, v18  }
0x1b6: {  	v5 =	vmul.f32 v5, v5;
	v10 =	vadd.f32 v10, v20;
	v8 =	vadd.f32 v8, v22;
	v25 =	vld [tilespmem:s28+$0xFFFFFFE0];
	(xrf2) =	vadd.scan.msk.f32 $0xffff, v15  }
0x1b7: {  	v1 =	vmul.f32 v1, v1;
	v15 =	vld [tilespmem:s31+$0x50];
	v2 =	vadd.f32 v2, v18;
	v18 =	vsub.f32 v24, v26  }
0x1b8: {  	v3 =	vmul.f32 v3, v3;
	v5 =	vadd.f32 v5, v10;
	v4 =	vadd.f32 v4, v8;
	v20 =	vld [tilespmem:s28+$0x50]  }
0x1b9: {  	v10 =	vsub.f32 v31, v32;
	v8 =	vld [tilespmem:s31+$0xC0];
	(xrf2) =	vadd.scan.msk.f32 $0xffff, v2  }
0x1ba: {  	v1 =	vadd.f32 v1, v4;
	v2 =	vadd.f32 v3, v5;
	v3 =	vmul.f32 v18, v18;
	v22 =	vld [tilespmem:s28+$0xC0]  }
0x1bb: {  	v4 =	vld [tilespmem:s31+$0xFFFFFF60]  }
0x1bc: {  	v2 =	vadd.f32 v3, v2;
	v3 =	vmul.f32 v10, v10;
	v5 =	vld [tilespmem:s28+$0xFFFFFF60];
	(xrf2) =	vadd.scan.msk.f32 $0xffff, v1  }
0x1bd: {  	v10 =	vld [tilespmem:s31+$0xFFFFFFD0]  }
0x1be: {  	v2 =	vadd.f32 v3, v2;
	v18 =	vld [tilespmem:s28+$0xFFFFFFD0]  }
0x1bf: {  	v24 =	vld [tilespmem:s31+$0x40]  }
0x1c0: {  	v26 =	vld [tilespmem:s28+$0x40];
	(xrf2) =	vadd.scan.msk.f32 $0xffff, v2;
	v1, _, _ =	vpop (xrf2)  }
0x1c1: {  	v27 =	vld [tilespmem:s31+$0xB0]  }
0x1c2: {  	v28 =	vld [tilespmem:s28+$0xB0]  }
0x1c3: {  	v29 =	vld [tilespmem:s31+$0xFFFFFF50];
	v2, _, _ =	vpop (xrf2)  }
0x1c4: {  	v30 =	vld [tilespmem:s28+$0xFFFFFF50]  }
0x1c5: {  	v31 =	vld [tilespmem:s31+$0xFFFFFFC0]  }
0x1c6: {  	v32 =	vld [tilespmem:s28+$0xFFFFFFC0];
	v3, _, _ =	vpop (xrf2)  }
0x1c7: {  	v33 =	vld [tilespmem:s31+$0x30];
	v3 =	vmax.f32 v3, $9.999999960e-13  }
0x1c8: {  	v34 =	vld [tilespmem:s28+$0x30];
	v19 =	vmin.f32 v3, $9.999999950e+11  }
0x1c9: {  	v2 =	vmax.f32 v2, $9.999999960e-13;
	v35 =	vld [tilespmem:s31+$0xA0];
	v0 =	vadd.f32 v19, v0  }
0x1ca: {  	v2 =	vmin.f32 v2, $9.999999950e+11;
	v36 =	vld [tilespmem:s28+$0xA0];
	v3, _, _ =	vpop (xrf2)  }
0x1cb: {  	v37 =	vld [tilespmem:s31+$0xFFFFFF40];
	v0 =	vadd.f32 v2, v0;
	v2 =	vmax.f32 v3, $9.999999960e-13  }
0x1cc: {  	v38 =	vld [tilespmem:s28+$0xFFFFFF40];
	v2 =	vmin.f32 v2, $9.999999950e+11  }
0x1cd: {  	v1 =	vmax.f32 v1, $9.999999960e-13;
	v39 =	vld [tilespmem:s31+$0xFFFFFFB0];
	v0 =	vadd.f32 v2, v0  }
0x1ce: {  	v1 =	vmin.f32 v1, $9.999999950e+11;
	v40 =	vld [tilespmem:s28+$0xFFFFFFB0]  }
0x1cf: {  	v41 =	vld [tilespmem:s31+$0x20];
	v0 =	vadd.f32 v1, v0  }
0x1d0: {  	v42 =	vld [tilespmem:s28+$0x20]  }
0x1d1: {  	v43 =	vld [tilespmem:s31+$0x80]  }
0x1d2: {  	v44 =	vld [tilespmem:s28+$0x80]  }
0x1d3: {  	v45 =	vld [tilespmem:s31+$0x90]  }
0x1d4: {  	v46 =	vld [tilespmem:s28+$0x90]  }
0x1d5: {  	v47 =	vld [tilespmem:s31+$0xFFFFFF30]  }
0x1d6: {  	v48 =	vld [tilespmem:s28+$0xFFFFFF30]  }
0x1d7: {  	v49 =	vld [tilespmem:s31+$0xFFFFFFA0]  }
0x1d8: {  	v50 =	vld [tilespmem:s28+$0xFFFFFFA0]  }
0x1d9: {  	v51 =	vld [tilespmem:s31+$0x0]  }
0x1da: {  	v6 =	vsub.f32 v6, v7;
	v52 =	vld [tilespmem:s28+$0x0]  }
0x1db: {  	v7 =	vsub.f32 v9, v11;
	v2 =	vsub.f32 v13, v14;
	v53 =	vld [tilespmem:s31+$0x10]  }
0x1dc: {  	v19 =	vsub.f32 v16, v17;
	v1 =	vsub.f32 v12, v21;
	v54 =	vld [tilespmem:s28+$0x10]  }
0x1dd: {  	v3 =	vsub.f32 v15, v20;
	v13 =	vsub.f32 v23, v25;
	v55 =	vld [tilespmem:s31+$0xFFFFFF20]  }
0x1de: {  	v9 =	vsub.f32 v8, v22;
	v4 =	vsub.f32 v4, v5;
	v15 =	vld [tilespmem:s28+$0xFFFFFF20]  }
0x1df: {  	v11 =	vsub.f32 v10, v18;
	v5 =	vsub.f32 v24, v26;
	v56 =	vld [tilespmem:s31+$0xFFFFFF80]  }
0x1e0: {  	v8 =	vsub.f32 v29, v30;
	v20 =	vsub.f32 v27, v28;
	v30 =	vld [tilespmem:s28+$0xFFFFFF80]  }
0x1e1: {  	v14 =	vsub.f32 v31, v32;
	v10 =	vsub.f32 v33, v34;
	v57 =	vld [tilespmem:s31+$0xFFFFFF90]  }
0x1e2: {  	s30 =	sadd.s32 $0x4, s30;
	v25 =	vsub.f32 v35, v36;
	v12 =	vsub.f32 v37, v38;
	v31 =	vld [tilespmem:s28+$0xFFFFFF90]  }
0x1e3: {  	p0 =	slt.u32 s30, $0x7C;
	v18 =	vsub.f32 v39, v40;
	v17 =	vsub.f32 v41, v42;
	v27 =	vld [tilespmem:s31+$0xFFFFFF00]  }
.Ltmp2:
0x1e4: {  	v32 =	vsub.f32 v43, v44;
	v33 =	vsub.f32 v45, v46;
	v29 =	vld [tilespmem:s28+$0xFFFFFF00];
	(pc) =	sbr.rel @p0 .LBB2_6-.Ltmp2, $4  }
0x1e5: {  	v16 =	vsub.f32 v47, v48;
	v24 =	vsub.f32 v49, v50;
	v26 =	vld [tilespmem:s31+$0xFFFFFF10]  }
0x1e6: {  	v21 =	vsub.f32 v51, v52;
	v22 =	vsub.f32 v53, v54;
	v28 =	vld [tilespmem:s28+$0xFFFFFF10]  }
0x1e7: {  	v23 =	vsub.f32 v55, v15;
	v15 =	vmul.f32 v6, v6;
	v30 =	vsub.f32 v56, v30  }
0x1e8: {  	v32 =	vmul.f32 v32, v32;
	v33 =	vmul.f32 v33, v33;
	s31 =	sadd.s32 $0x200, s31;
	v31 =	vsub.f32 v57, v31  }
0x1e9: {  	v6 =	vmul.f32 v19, v19  }
0x1ea: {  	v7 =	vmul.f32 v7, v7;
	v13 =	vmul.f32 v13, v13  }
0x1eb: {  	v19 =	vsub.f32 v27, v29;
	v25 =	vmul.f32 v25, v25;
	v29 =	vmul.f32 v30, v30  }
0x1ec: {  	v20 =	vmul.f32 v20, v20;
	v9 =	vmul.f32 v9, v9  }
0x1ed: {  	v24 =	vmul.f32 v24, v24;
	v11 =	vmul.f32 v11, v11;
	v27 =	vadd.f32 v33, v32  }
0x1ee: {  	v18 =	vmul.f32 v18, v18;
	v30 =	vmul.f32 v31, v31;
	v26 =	vsub.f32 v26, v28  }
0x1ef: {  	v14 =	vmul.f32 v14, v14;
	v21 =	vmul.f32 v21, v21;
	v25 =	vadd.f32 v25, v27  }
0x1f0: {  	v19 =	vmul.f32 v19, v19;
	v27 =	vadd.f32 v30, v29;
	v26 =	vmul.f32 v26, v26  }
0x1f1: {  	v22 =	vmul.f32 v22, v22;
	v23 =	vmul.f32 v23, v23;
	v20 =	vadd.f32 v20, v25  }
0x1f2: {  	v17 =	vmul.f32 v17, v17;
	v24 =	vadd.f32 v24, v27;
	v19 =	vadd.f32 v26, v19  }
0x1f3: {  	v16 =	vmul.f32 v16, v16;
	v21 =	vadd.f32 v22, v21;
	v22 =	vld [tilespmem:s29+$0x60];
	v9 =	vadd.f32 v9, v20  }
0x1f4: {  	v10 =	vmul.f32 v10, v10;
	v18 =	vadd.f32 v18, v24;
	v20 =	vld [tilespmem:s26+$0x60];
	v19 =	vadd.f32 v23, v19  }
0x1f5: {  	v12 =	vmul.f32 v12, v12;
	v17 =	vadd.f32 v17, v21;
	v6 =	vadd.f32 v6, v9;
	v9 =	vld [tilespmem:s26+$0x70]  }
0x1f6: {  	v5 =	vmul.f32 v5, v5;
	v14 =	vadd.f32 v14, v18;
	v18 =	vld [tilespmem:s29+$0x70];
	v16 =	vadd.f32 v16, v19  }
0x1f7: {  	v6 =	vadd.f32 v7, v6;
	v7 =	vmul.f32 v8, v8;
	v8 =	vadd.f32 v10, v17  }
0x1f8: {  	v4 =	vmul.f32 v4, v4;
	v10 =	vadd.f32 v11, v14;
	v11 =	vadd.f32 v12, v16  }
0x1f9: {  	v3 =	vmul.f32 v3, v3;
	v12 =	vsub.f32 v20, v22;
	v5 =	vadd.f32 v5, v8  }
0x1fa: {  	v2 =	vmul.f32 v2, v2;
	v8 =	vadd.f32 v13, v10;
	v7 =	vadd.f32 v7, v11  }
0x1fb: {  	v9 =	vsub.f32 v9, v18;
	v3 =	vadd.f32 v3, v5;
	v5 =	vmul.f32 v12, v12  }
0x1fc: {  	v1 =	vmul.f32 v1, v1;
	v6 =	vadd.f32 v15, v6;
	v4 =	vadd.f32 v4, v7  }
0x1fd: {  	v2 =	vadd.f32 v2, v8;
	v3 =	vadd.f32 v5, v3;
	v5 =	vmul.f32 v9, v9  }
0x1fe: {  	(xrf2) =	vadd.scan.msk.f32 $0xffff, v6;
	v1 =	vadd.f32 v1, v4  }
0x1ff: {  	(xrf2) =	vadd.scan.msk.f32 $0xffff, v2;
	v2 =	vadd.f32 v5, v3  }
0x200: {  	(xrf2) =	vadd.scan.msk.f32 $0xffff, v1  }
0x201: {  	(xrf2) =	vadd.scan.msk.f32 $0xffff, v2;
	_ =	sdelay $0x6  }
0x202: {  	v1, _, _ =	vpop (xrf2)  }
0x203: {  	v2, _, _ =	vpop (xrf2)  }
0x204: {  	v3, _, _ =	vpop (xrf2)  }
0x205: {  	v4, _, _ =	vpop (xrf2)  }
0x206: {  	_ =	swait.ge [sflag:s21], $0x4000  }
0x207: {  	[sflag:s21] =	ssyncset.done $0x0  }
0x208: {  	[sflag:s21] =	ssyncadd.s32 $0xFFFFC000  }
0x209: {  	_ =	swait.ge [sflag:s22], $0x4000  }
0x20a: {  	[sflag:s22] =	ssyncset.done $0x0  }
0x20b: {  	s26 =	simm.s32 $0x0;
	[sflag:s22] =	ssyncadd.s32 $0xFFFFC000  }
0x20c: {  	v5 =	vld [tilespmem:s26+$0x43F0]  }
0x20d: {  	v6 =	vld [tilespmem:s26+$0xC3F0]  }
0x20e: {  	v7 =	vld [tilespmem:s26+$0x43E0]  }
0x20f: {  	v8 =	vld [tilespmem:s26+$0xC3E0]  }
0x210: {  	v9 =	vld [tilespmem:s26+$0x42F0]  }
0x211: {  	v10 =	vld [tilespmem:s26+$0xC2F0]  }
0x212: {  	v11 =	vld [tilespmem:s26+$0x43D0]  }
0x213: {  	v12 =	vld [tilespmem:s26+$0xC3D0]  }
0x214: {  	v13 =	vld [tilespmem:s26+$0x4270]  }
0x215: {  	v14 =	vld [tilespmem:s26+$0xC270]  }
0x216: {  	v15 =	vld [tilespmem:s26+$0x42E0]  }
0x217: {  	v16 =	vld [tilespmem:s26+$0xC2E0]  }
0x218: {  	v17 =	vld [tilespmem:s26+$0x4350]  }
0x219: {  	v18 =	vld [tilespmem:s26+$0xC350]  }
0x21a: {  	v20 =	vld [tilespmem:s26+$0x43C0]  }
0x21b: {  	v21 =	vld [tilespmem:s26+$0xC3C0]  }
0x21c: {  	v22 =	vld [tilespmem:s26+$0x4260]  }
0x21d: {  	v23 =	vld [tilespmem:s26+$0xC260]  }
0x21e: {  	v24 =	vld [tilespmem:s26+$0x42D0]  }
0x21f: {  	v25 =	vld [tilespmem:s26+$0xC2D0]  }
0x220: {  	v26 =	vld [tilespmem:s26+$0x4340]  }
0x221: {  	v27 =	vld [tilespmem:s26+$0xC340]  }
0x222: {  	v28 =	vld [tilespmem:s26+$0x43B0]  }
0x223: {  	v29 =	vld [tilespmem:s26+$0xC3B0]  }
0x224: {  	v30 =	vld [tilespmem:s26+$0x4250]  }
0x225: {  	v31 =	vld [tilespmem:s26+$0xC250]  }
0x226: {  	v62 =	vld [tilespmem:s26+$0x42C0]  }
0x227: {  	v63 =	vld [tilespmem:s26+$0xC2C0]  }
0x228: {  	v34 =	vld [tilespmem:s26+$0x4330]  }
0x229: {  	v35 =	vld [tilespmem:s26+$0xC330]  }
0x22a: {  	v36 =	vld [tilespmem:s26+$0x43A0]  }
0x22b: {  	v37 =	vld [tilespmem:s26+$0xC3A0]  }
0x22c: {  	v38 =	vld [tilespmem:s26+$0x4240]  }
0x22d: {  	v39 =	vld [tilespmem:s26+$0xC240]  }
0x22e: {  	v40 =	vld [tilespmem:s26+$0x42B0]  }
0x22f: {  	v41 =	vld [tilespmem:s26+$0xC2B0]  }
0x230: {  	v42 =	vld [tilespmem:s26+$0x4320]  }
0x231: {  	v43 =	vld [tilespmem:s26+$0xC320]  }
0x232: {  	v44 =	vld [tilespmem:s26+$0x4380]  }
0x233: {  	v3 =	vmax.f32 v3, $9.999999960e-13;
	v45 =	vld [tilespmem:s26+$0xC380]  }
0x234: {  	v3 =	vmin.f32 v3, $9.999999950e+11;
	v46 =	vld [tilespmem:s26+$0x4390]  }
0x235: {  	v2 =	vmax.f32 v2, $9.999999960e-13;
	v0 =	vadd.f32 v3, v0;
	v47 =	vld [tilespmem:s26+$0xC390]  }
0x236: {  	v2 =	vmin.f32 v2, $9.999999950e+11;
	v48 =	vld [tilespmem:s26+$0x4230]  }
0x237: {  	v0 =	vadd.f32 v2, v0;
	v2 =	vmax.f32 v4, $9.999999960e-13;
	v49 =	vld [tilespmem:s26+$0xC230]  }
0x238: {  	v2 =	vmin.f32 v2, $9.999999950e+11;
	v50 =	vld [tilespmem:s26+$0x42A0]  }
0x239: {  	v1 =	vmax.f32 v1, $9.999999960e-13;
	v0 =	vadd.f32 v2, v0;
	v51 =	vld [tilespmem:s26+$0xC2A0]  }
0x23a: {  	v1 =	vmin.f32 v1, $9.999999950e+11;
	v52 =	vld [tilespmem:s26+$0x4300]  }
0x23b: {  	v54 =	vld [tilespmem:s26+$0xC300];
	v0 =	vadd.f32 v1, v0;
	v53 =	vsub.f32 v5, v6  }
0x23c: {  	v55 =	vld [tilespmem:s26+$0x4310];
	v3 =	vsub.f32 v9, v10;
	v7 =	vsub.f32 v7, v8  }
0x23d: {  	v56 =	vld [tilespmem:s26+$0xC310];
	v2 =	vsub.f32 v13, v14;
	v19 =	vsub.f32 v11, v12  }
0x23e: {  	v57 =	vld [tilespmem:s26+$0x4280];
	v12 =	vsub.f32 v15, v16;
	v1 =	vsub.f32 v17, v18  }
0x23f: {  	v58 =	vld [tilespmem:s26+$0xC280];
	v5 =	vsub.f32 v22, v23;
	v10 =	vsub.f32 v20, v21  }
0x240: {  	v17 =	vld [tilespmem:s26+$0x4220];
	v11 =	vsub.f32 v24, v25;
	v4 =	vsub.f32 v26, v27  }
0x241: {  	v23 =	vld [tilespmem:s26+$0xC220];
	v9 =	vsub.f32 v30, v31;
	v20 =	vsub.f32 v28, v29  }
0x242: {  	v14 =	vsub.f32 v62, v63;
	v8 =	vsub.f32 v34, v35;
	v6 =	vld [tilespmem:s26+$0x4290]  }
0x243: {  	v13 =	vsub.f32 v38, v39;
	v25 =	vsub.f32 v36, v37;
	v28 =	vld [tilespmem:s26+$0xC290]  }
0x244: {  	v18 =	vsub.f32 v40, v41;
	v16 =	vsub.f32 v42, v43;
	v26 =	vld [tilespmem:s26+$0x4200]  }
0x245: {  	v31 =	vsub.f32 v44, v45;
	v32 =	vsub.f32 v46, v47;
	v29 =	vld [tilespmem:s26+$0xC200]  }
0x246: {  	v15 =	vsub.f32 v48, v49;
	v24 =	vsub.f32 v50, v51;
	v27 =	vld [tilespmem:s26+$0x4210]  }
0x247: {  	v21 =	vsub.f32 v52, v54;
	v22 =	vsub.f32 v55, v56;
	v30 =	vld [tilespmem:s26+$0xC210]  }
0x248: {  	s28 =	simm.s32 $0x0;
	s29 =	simm.s32 $0x800;
	v33 =	vsub.f32 v57, v58;
	v23 =	vsub.f32 v17, v23;
	v17 =	vmul.f32 v53, v53  }
.LBB2_8:
0x249: {  	s30 =	sshra.s32 s29, $0x2;
	v28 =	vsub.f32 v6, v28;
	v31 =	vmul.f32 v31, v31;
	v32 =	vmul.f32 v32, v32  }
0x24a: {  	v19 =	vmul.f32 v19, v19;
	v6 =	vld [tilespmem:s30+$0x43F0];
	v26 =	vsub.f32 v26, v29;
	v29 =	vmul.f32 v7, v7  }
0x24b: {  	v34 =	vmul.f32 v12, v12;
	v25 =	vmul.f32 v25, v25;
	v7 =	vld [tilespmem:s30+$0xC3F0];
	v12 =	vadd.f32 v32, v31  }
0x24c: {  	v28 =	vmul.f32 v28, v28;
	v27 =	vsub.f32 v27, v30;
	v30 =	vmul.f32 v33, v33;
	v31 =	vld [tilespmem:s26+$0x4370]  }
0x24d: {  	v20 =	vmul.f32 v20, v20;
	v32 =	vld [tilespmem:s26+$0xC370];
	v12 =	vadd.f32 v25, v12;
	v25 =	vmul.f32 v10, v10  }
0x24e: {  	v24 =	vmul.f32 v24, v24;
	v10 =	vld [tilespmem:s30+$0x43E0];
	v28 =	vadd.f32 v28, v30;
	v30 =	vmul.f32 v11, v11  }
0x24f: {  	v26 =	vmul.f32 v26, v26;
	v27 =	vmul.f32 v27, v27;
	v11 =	vld [tilespmem:s30+$0xC3E0];
	v20 =	vadd.f32 v20, v12  }
0x250: {  	v18 =	vmul.f32 v18, v18;
	v12 =	vld [tilespmem:s30+$0x42F0];
	v24 =	vadd.f32 v24, v28;
	v28 =	vmul.f32 v14, v14  }
0x251: {  	v23 =	vmul.f32 v23, v23;
	v26 =	vadd.f32 v27, v26;
	v14 =	vld [tilespmem:s30+$0xC2F0];
	v20 =	vadd.f32 v25, v20  }
0x252: {  	v21 =	vmul.f32 v21, v21;
	v22 =	vmul.f32 v22, v22;
	v18 =	vadd.f32 v18, v24;
	v24 =	vld [tilespmem:s26+$0x4360]  }
0x253: {  	v25 =	vmul.f32 v15, v15;
	v23 =	vadd.f32 v23, v26;
	v26 =	vld [tilespmem:s26+$0xC360];
	v19 =	vadd.f32 v19, v20;
	s26 =	smov.u32 s30  }
0x254: {  	v20 =	vadd.f32 v22, v21;
	v21 =	vmul.f32 v16, v16;
	v15 =	vld [tilespmem:s26+$0x43D0];
	v18 =	vadd.f32 v28, v18  }
0x255: {  	v22 =	vadd.f32 v25, v23;
	v23 =	vmul.f32 v13, v13;
	v16 =	vld [tilespmem:s26+$0xC3D0];
	v19 =	vadd.f32 v29, v19  }
0x256: {  	v9 =	vmul.f32 v9, v9;
	v20 =	vadd.f32 v21, v20;
	v13 =	vld [tilespmem:s26+$0x4270];
	v18 =	vadd.f32 v30, v18  }
0x257: {  	v8 =	vmul.f32 v8, v8;
	v22 =	vadd.f32 v23, v22;
	v21 =	vld [tilespmem:s26+$0xC270];
	v17 =	vadd.f32 v17, v19  }
0x258: {  	v5 =	vmul.f32 v5, v5;
	v3 =	vmul.f32 v3, v3;
	v23 =	vld [tilespmem:s26+$0x42E0];
	v18 =	vadd.f32 v34, v18  }
0x259: {  	v4 =	vmul.f32 v4, v4;
	v8 =	vadd.f32 v8, v20;
	v9 =	vadd.f32 v9, v22;
	v25 =	vld [tilespmem:s26+$0xC2E0];
	(xrf2) =	vadd.scan.msk.f32 $0xffff, v17  }
0x25a: {  	v2 =	vmul.f32 v2, v2;
	v17 =	vld [tilespmem:s26+$0x4350];
	v3 =	vadd.f32 v3, v18;
	v18 =	vsub.f32 v24, v26  }
0x25b: {  	v1 =	vmul.f32 v1, v1;
	v4 =	vadd.f32 v4, v8;
	v5 =	vadd.f32 v5, v9;
	v20 =	vld [tilespmem:s26+$0xC350]  }
0x25c: {  	v9 =	vsub.f32 v31, v32;
	v8 =	vld [tilespmem:s26+$0x43C0];
	(xrf2) =	vadd.scan.msk.f32 $0xffff, v3  }
0x25d: {  	v1 =	vadd.f32 v1, v4;
	v2 =	vadd.f32 v2, v5;
	v3 =	vmul.f32 v18, v18;
	v22 =	vld [tilespmem:s26+$0xC3C0]  }
0x25e: {  	v4 =	vld [tilespmem:s26+$0x4260]  }
0x25f: {  	v1 =	vadd.f32 v3, v1;
	v3 =	vmul.f32 v9, v9;
	v5 =	vld [tilespmem:s26+$0xC260];
	(xrf2) =	vadd.scan.msk.f32 $0xffff, v2  }
0x260: {  	v9 =	vld [tilespmem:s26+$0x42D0]  }
0x261: {  	v2 =	vadd.f32 v3, v1;
	v18 =	vld [tilespmem:s26+$0xC2D0]  }
0x262: {  	v24 =	vld [tilespmem:s26+$0x4340]  }
0x263: {  	v26 =	vld [tilespmem:s26+$0xC340];
	(xrf2) =	vadd.scan.msk.f32 $0xffff, v2;
	v1, _, _ =	vpop (xrf2)  }
0x264: {  	v27 =	vld [tilespmem:s26+$0x43B0]  }
0x265: {  	v28 =	vld [tilespmem:s26+$0xC3B0]  }
0x266: {  	v29 =	vld [tilespmem:s26+$0x4250];
	v2, _, _ =	vpop (xrf2)  }
0x267: {  	v30 =	vld [tilespmem:s26+$0xC250]  }
0x268: {  	v31 =	vld [tilespmem:s26+$0x42C0]  }
0x269: {  	v32 =	vld [tilespmem:s26+$0xC2C0];
	v3, _, _ =	vpop (xrf2)  }
0x26a: {  	v33 =	vld [tilespmem:s26+$0x4330];
	v3 =	vmax.f32 v3, $9.999999960e-13  }
0x26b: {  	v34 =	vld [tilespmem:s26+$0xC330];
	v19 =	vmin.f32 v3, $9.999999950e+11  }
0x26c: {  	v2 =	vmax.f32 v2, $9.999999960e-13;
	v35 =	vld [tilespmem:s26+$0x43A0];
	v0 =	vadd.f32 v19, v0  }
0x26d: {  	v2 =	vmin.f32 v2, $9.999999950e+11;
	v36 =	vld [tilespmem:s26+$0xC3A0];
	v3, _, _ =	vpop (xrf2)  }
0x26e: {  	v37 =	vld [tilespmem:s26+$0x4240];
	v0 =	vadd.f32 v2, v0;
	v2 =	vmax.f32 v3, $9.999999960e-13  }
0x26f: {  	v38 =	vld [tilespmem:s26+$0xC240];
	v2 =	vmin.f32 v2, $9.999999950e+11  }
0x270: {  	v1 =	vmax.f32 v1, $9.999999960e-13;
	v39 =	vld [tilespmem:s26+$0x42B0];
	v0 =	vadd.f32 v2, v0  }
0x271: {  	v1 =	vmin.f32 v1, $9.999999950e+11;
	v40 =	vld [tilespmem:s26+$0xC2B0]  }
0x272: {  	v41 =	vld [tilespmem:s26+$0x4320];
	v0 =	vadd.f32 v1, v0  }
0x273: {  	v42 =	vld [tilespmem:s26+$0xC320]  }
0x274: {  	v43 =	vld [tilespmem:s26+$0x4380]  }
0x275: {  	v44 =	vld [tilespmem:s26+$0xC380]  }
0x276: {  	v45 =	vld [tilespmem:s26+$0x4390]  }
0x277: {  	v46 =	vld [tilespmem:s26+$0xC390]  }
0x278: {  	v47 =	vld [tilespmem:s26+$0x4230]  }
0x279: {  	v48 =	vld [tilespmem:s26+$0xC230]  }
0x27a: {  	v49 =	vld [tilespmem:s26+$0x42A0]  }
0x27b: {  	v50 =	vld [tilespmem:s26+$0xC2A0]  }
0x27c: {  	v51 =	vld [tilespmem:s26+$0x4300]  }
0x27d: {  	v53 =	vsub.f32 v6, v7;
	v52 =	vld [tilespmem:s26+$0xC300]  }
0x27e: {  	v7 =	vsub.f32 v10, v11;
	v3 =	vsub.f32 v12, v14;
	v54 =	vld [tilespmem:s26+$0x4310]  }
0x27f: {  	v19 =	vsub.f32 v15, v16;
	v2 =	vsub.f32 v13, v21;
	v55 =	vld [tilespmem:s26+$0xC310]  }
0x280: {  	v12 =	vsub.f32 v23, v25;
	v1 =	vsub.f32 v17, v20;
	v56 =	vld [tilespmem:s26+$0x4220]  }
0x281: {  	v10 =	vsub.f32 v8, v22;
	v5 =	vsub.f32 v4, v5;
	v17 =	vld [tilespmem:s26+$0xC220]  }
0x282: {  	v11 =	vsub.f32 v9, v18;
	v4 =	vsub.f32 v24, v26;
	v57 =	vld [tilespmem:s26+$0x4280]  }
0x283: {  	v9 =	vsub.f32 v29, v30;
	v20 =	vsub.f32 v27, v28;
	v58 =	vld [tilespmem:s26+$0xC280]  }
0x284: {  	s28 =	sadd.s32 $0x4, s28;
	v14 =	vsub.f32 v31, v32;
	v8 =	vsub.f32 v33, v34;
	v6 =	vld [tilespmem:s26+$0x4290]  }
0x285: {  	p0 =	slt.u32 s28, $0x7C;
	v25 =	vsub.f32 v35, v36;
	v13 =	vsub.f32 v37, v38;
	v28 =	vld [tilespmem:s26+$0xC290]  }
.Ltmp3:
0x286: {  	v18 =	vsub.f32 v39, v40;
	v16 =	vsub.f32 v41, v42;
	v26 =	vld [tilespmem:s26+$0x4200];
	(pc) =	sbr.rel @p0 .LBB2_8-.Ltmp3, $4  }
0x287: {  	v31 =	vsub.f32 v43, v44;
	v32 =	vsub.f32 v45, v46;
	v29 =	vld [tilespmem:s26+$0xC200]  }
0x288: {  	v15 =	vsub.f32 v47, v48;
	v24 =	vsub.f32 v49, v50;
	v27 =	vld [tilespmem:s26+$0x4210]  }
0x289: {  	v21 =	vsub.f32 v51, v52;
	v22 =	vsub.f32 v54, v55;
	v30 =	vld [tilespmem:s26+$0xC210]  }
0x28a: {  	s29 =	sadd.s32 $0x800, s29;
	v23 =	vsub.f32 v56, v17;
	v17 =	vmul.f32 v53, v53;
	v33 =	vsub.f32 v57, v58  }
0x28b: {  	v31 =	vmul.f32 v31, v31  }
0x28c: {  	v32 =	vmul.f32 v32, v32;
	v19 =	vmul.f32 v19, v19  }
0x28d: {  	v7 =	vmul.f32 v7, v7;
	v12 =	vmul.f32 v12, v12  }
0x28e: {  	v25 =	vmul.f32 v25, v25;
	v20 =	vmul.f32 v20, v20  }
0x28f: {  	v10 =	vmul.f32 v10, v10;
	v24 =	vmul.f32 v24, v24  }
0x290: {  	v6 =	vsub.f32 v6, v28;
	v18 =	vmul.f32 v18, v18;
	v14 =	vmul.f32 v14, v14  }
0x291: {  	v46 =	vmul.f32 v21, v21;
	v26 =	vsub.f32 v26, v29;
	v27 =	vsub.f32 v27, v30  }
0x292: {  	v44 =	vmul.f32 v33, v33;
	v6 =	vmul.f32 v6, v6  }
0x293: {  	v43 =	vadd.f32 v32, v31;
	v26 =	vmul.f32 v26, v26;
	v27 =	vmul.f32 v27, v27  }
0x294: {  	v47 =	vmul.f32 v22, v22;
	v15 =	vmul.f32 v15, v15;
	v49 =	vld [tilespmem:s26+$0x4360];
	v6 =	vadd.f32 v6, v44  }
0x295: {  	v51 =	vld [tilespmem:s26+$0xC360];
	v23 =	vmul.f32 v23, v23;
	v25 =	vadd.f32 v25, v43;
	v45 =	vadd.f32 v27, v26  }
0x296: {  	v16 =	vmul.f32 v16, v16;
	v50 =	vadd.f32 v47, v46;
	v6 =	vadd.f32 v24, v6  }
0x297: {  	v11 =	vmul.f32 v11, v11;
	v20 =	vadd.f32 v20, v25;
	v48 =	vadd.f32 v23, v45  }
0x298: {  	v13 =	vmul.f32 v13, v13;
	v54 =	vadd.f32 v16, v50;
	v6 =	vadd.f32 v18, v6  }
0x299: {  	v9 =	vmul.f32 v9, v9;
	v10 =	vadd.f32 v10, v20;
	v15 =	vadd.f32 v15, v48  }
0x29a: {  	v52 =	vld [tilespmem:s26+$0x4370];
	v8 =	vmul.f32 v8, v8;
	v55 =	vsub.f32 v49, v51;
	v6 =	vadd.f32 v14, v6  }
0x29b: {  	v53 =	vld [tilespmem:s26+$0xC370];
	v5 =	vmul.f32 v5, v5;
	v10 =	vadd.f32 v19, v10;
	v13 =	vadd.f32 v13, v15  }
0x29c: {  	v4 =	vmul.f32 v4, v4;
	v8 =	vadd.f32 v8, v54;
	v6 =	vadd.f32 v11, v6  }
0x29d: {  	v3 =	vmul.f32 v3, v3;
	v7 =	vadd.f32 v7, v10;
	v9 =	vadd.f32 v9, v13  }
0x29e: {  	v2 =	vmul.f32 v2, v2;
	v4 =	vadd.f32 v4, v8;
	v6 =	vadd.f32 v12, v6  }
0x29f: {  	v1 =	vmul.f32 v1, v1;
	v7 =	vadd.f32 v17, v7;
	v5 =	vadd.f32 v5, v9  }
0x2a0: {  	v56 =	vsub.f32 v52, v53;
	v3 =	vadd.f32 v3, v6  }
0x2a1: {  	v57 =	vmul.f32 v55, v55;
	v1 =	vadd.f32 v1, v4;
	(xrf2) =	vadd.scan.msk.f32 $0xffff, v7;
	v2 =	vadd.f32 v2, v5  }
0x2a2: {  	(xrf2) =	vadd.scan.msk.f32 $0xffff, v3  }
0x2a3: {  	v58 =	vmul.f32 v56, v56;
	v1 =	vadd.f32 v57, v1;
	(xrf2) =	vadd.scan.msk.f32 $0xffff, v2;
	_ =	sdelay $0x1  }
0x2a4: {  	v1 =	vadd.f32 v58, v1;
	_ =	sdelay $0x1  }
0x2a5: {  	(xrf2) =	vadd.scan.msk.f32 $0xffff, v1;
	_ =	sdelay $0x3  }
0x2a6: {  	v59, _, _ =	vpop (xrf2)  }
0x2a7: {  	v60, _, _ =	vpop (xrf2)  }
0x2a8: {  	v61, _, _ =	vpop (xrf2)  }
0x2a9: {  	v3 =	vmax.f32 v61, $9.999999960e-13  }
0x2aa: {  	v3 =	vmin.f32 v3, $9.999999950e+11  }
0x2ab: {  	v2 =	vmax.f32 v60, $9.999999960e-13;
	v0 =	vadd.f32 v3, v0  }
0x2ac: {  	v2 =	vmin.f32 v2, $9.999999950e+11;
	v62, _, _ =	vpop (xrf2)  }
0x2ad: {  	v63 =	vmax.f32 v62, $9.999999960e-13;
	v0 =	vadd.f32 v2, v0  }
0x2ae: {  	v2 =	vmin.f32 v63, $9.999999950e+11  }
0x2af: {  	v1 =	vmax.f32 v59, $9.999999960e-13;
	v0 =	vadd.f32 v2, v0  }
0x2b0: {  	v1 =	vmin.f32 v1, $9.999999950e+11  }
0x2b1: {  	s25 =	sadd.s32 $0x1, s25;
	v0 =	vadd.f32 v1, v0  }
0x2b2: {  	p0 =	sne.s32 s25, s10  }
.Ltmp4:
0x2b3: {  	[tilespmem:$0x10200] =	vst v0;
	(pc) =	sbr.rel @p0 .LBB2_1-.Ltmp4, $4  }
0x2b4: {  	[hbm4b:s9+s3] =	stream.linear.scatter [tilespmem:s24], [sflag:$0x5], $0x80, $0x38;
	[tilespmem:$0x10280] =	vst v63  }
0x2b5: {  	_ =	swait.ge [sflag:s14], $0x80  }
0x2b6: {  	[sflag:s14] =	ssyncset.done $0x0  }
0x2b7: {  	[sflag:s14] =	ssyncadd.s32 $0xFFFFFF80  }
0x2b8: {  	_ =	sfence.sel $0x180000  }
0x2b9: {  	[bflag:$0x0] =	sbarrier.arrive $0xFFFF  }
0x2ba: {  	p0 =	sne.s32 s0, $0x0;
	_ =	strace $0x90000047  }
0x2bb: {  	s0 =	sadd.s32 @!p0 $0x100000, s1;
	[bflag:$0x2] =	sbarrier.arrive $0xFFFF  }
0x2bc: {  	[sflag:s0] =	ssyncadd.tile.s32 @!p0 $0x1;
	_ =	shalt  }
.Lfunc_end2:
_tile_overlayer_lowered:
.L_overlay_start_2:
0x2bd: {  	(tag) =	ssettag $0x2  }
0x2be: {  	s0 =	rddreg [dreg:$0x0];
	s2 =	stileid.u32  }
0x2bf: {  	s1 =	rddreg [dreg:$0x1];
	p0 =	sne.s32 s2, $0x0  }
0x2c0: {  	s3 =	rddreg [dreg:$0x2];
	[bflag:$0x3] =	sbarrier.arrive $0xFFFF;
	s2 =	simm.s32 @!p0 $0x1C05  }
0x2c1: {  	[timem:s3], [sflag:s2] =	dma.local @!p0 [hbm:s0], s1  }
0x2c2: {  	s0 =	simm.s32 @!p0 $0x5  }
0x2c3: {  	_ =	swait.ge @!p0 [sflag:s0], s1  }
0x2c4: {  	s1 =	ssub.s32 @!p0 $0x0, s1;
	[sflag:s0] =	ssyncset.done @!p0 $0x0  }
0x2c5: {  	[sflag:s0] =	ssyncadd.s32 @!p0 s1  }
0x2c6: {  	[bflag:$0x3] =	sbarrier.arrive $0xFFFF  }
0x2c7: {  	_ =	shalt  }

</sc_bundles>
